<compile_context>
chip_gen: v7x
topology: tpu7x:2x2x1
jax: 0.10.2.dev20260603
libtpu: 0.0.44.dev20260713+nightly
codegen_flags: <defaults>
</compile_context>

<pallas_src>
import functools

import jax
import jax.numpy as jnp
from jax import lax
from jax.experimental import pallas as pl
from jax.experimental.pallas import tpu as pltpu
from jax.experimental.pallas import tpu_sc as plsc

LANES = 16


def kernel(h, r, t, E, R):
    B = h.shape[0]
    V, D = E.shape
    mesh = plsc.VectorSubcoreMesh(core_axis_name="c", subcore_axis_name="s")
    NW = mesh.num_cores * mesh.num_subcores
    b_per_w = B // NW

    @functools.partial(
        pl.kernel,
        out_type=jax.ShapeDtypeStruct((B,), jnp.float32),
        mesh=mesh,
        scratch_types=[
            pltpu.VMEM((b_per_w,), jnp.int32),
            pltpu.VMEM((b_per_w,), jnp.int32),
            pltpu.VMEM((b_per_w,), jnp.int32),
            pltpu.VMEM((b_per_w, D), jnp.float32),
            pltpu.VMEM((b_per_w, D), jnp.float32),
            pltpu.VMEM((b_per_w, D), jnp.float32),
            pltpu.VMEM((b_per_w,), jnp.float32),
            pltpu.SemaphoreType.DMA,
        ],
        compiler_params=pltpu.CompilerParams(
            needs_layout_passes=False, use_tc_tiling_on_sc=False),
    )
    def transe(h_hbm, r_hbm, t_hbm, E_hbm, R_hbm, out_hbm,
               h_v, t_v, r_v, eh_v, et_v, rr_v, out_v, sem):
        wid = lax.axis_index("s") * mesh.num_cores + lax.axis_index("c")
        base = wid * b_per_w

        pltpu.sync_copy(h_hbm.at[pl.ds(base, b_per_w)], h_v)
        pltpu.sync_copy(t_hbm.at[pl.ds(base, b_per_w)], t_v)
        pltpu.sync_copy(r_hbm.at[pl.ds(base, b_per_w)], r_v)

        c1 = pltpu.async_copy(E_hbm.at[h_v], eh_v, sem)
        c2 = pltpu.async_copy(E_hbm.at[t_v], et_v, sem)
        c3 = pltpu.async_copy(R_hbm.at[r_v], rr_v, sem)
        c1.wait()
        c2.wait()
        c3.wait()

        lanes = lax.iota(jnp.int32, LANES)

        def body(g, _):
            acc = jnp.zeros((LANES,), jnp.float32)
            for j in range(LANES):
                i = g * LANES + j
                lo = jnp.abs(eh_v[i, pl.ds(0, LANES)]
                             + rr_v[i, pl.ds(0, LANES)]
                             - et_v[i, pl.ds(0, LANES)])
                hi = jnp.abs(eh_v[i, pl.ds(LANES, LANES)]
                             + rr_v[i, pl.ds(LANES, LANES)]
                             - et_v[i, pl.ds(LANES, LANES)])
                acc = jnp.where(lanes == j, jnp.sum(lo + hi), acc)
            out_v[pl.ds(g * LANES, LANES)] = acc
            return 0

        lax.fori_loop(0, b_per_w // LANES, body, 0)

        pltpu.sync_copy(out_v, out_hbm.at[pl.ds(base, b_per_w)])

    return transe(h, r, t, E, R)

# --- scband reference (transcript-rebuilt; emitter-appended) ---
"""Pipeline reference for scband-trans-e-22368189677949 (READ-ONLY COPY).

The authoritative reference and input builder live on the scoring server;
editing this copy changes nothing except your own understanding.
"""

import jax, jax.numpy as jnp
import numpy as np

NUM_ENTITIES = 1000000
NUM_RELATIONS = 1000
DIM = 32
BATCH = 16384

def setup_inputs(seed: int = 0) -> dict:
    key = jax.random.key(seed)
    k1, k2, k3, k4, k5 = jax.random.split(key, 5)
    h = jax.random.randint(k1, (BATCH,), 0, NUM_ENTITIES, dtype=jnp.int64 if jax.config.jax_enable_x64 else jnp.int32).astype(jnp.int32)
    r = jax.random.randint(k2, (BATCH,), 0, NUM_RELATIONS).astype(jnp.int32)
    t = jax.random.randint(k3, (BATCH,), 0, NUM_ENTITIES).astype(jnp.int32)
    # Xavier uniform init: bound = sqrt(6 / (fan_in + fan_out))
    bE = float(np.sqrt(6.0 / (NUM_ENTITIES + DIM)))
    bR = float(np.sqrt(6.0 / (NUM_RELATIONS + DIM)))
    E = jax.random.uniform(k4, (NUM_ENTITIES, DIM), minval=-bE, maxval=bE, dtype=jnp.float32)
    R = jax.random.uniform(k5, (NUM_RELATIONS, DIM), minval=-bR, maxval=bR, dtype=jnp.float32)
    return {"h": h, "r": r, "t": t, "E": E, "R": R}

def reference(h, r, t, E, R):
    # TransE forward: L1 norm of E(h) + R(r) - E(t) along embedding dim
    eh = jnp.take(E, h, axis=0)
    rr = jnp.take(R, r, axis=0)
    et = jnp.take(E, t, axis=0)
    return jnp.sum(jnp.abs(eh + rr - et), axis=1)

if __name__ == "__main__":
    import jax
    _d = setup_inputs()
    print(jax.jit(kernel)(*tuple(_d.values())))

</pallas_src>

<mosaic_0001>
#map = affine_map<(d0, d1) -> (0)>
#map1 = affine_map<(d0, d1) -> (0, 0)>
module attributes {stable_mosaic.version = 14 : i64} {
  func.func @transe(%arg0: i32, %arg1: i32, %arg2: memref<16384xi32, #tpu.memory_space<hbm>>, %arg3: memref<16384xi32, #tpu.memory_space<hbm>>, %arg4: memref<16384xi32, #tpu.memory_space<hbm>>, %arg5: memref<1000000x32xf32, #tpu.memory_space<hbm>>, %arg6: memref<1000x32xf32, #tpu.memory_space<hbm>>, %arg7: memref<16384xf32, #tpu.memory_space<hbm>>, %arg8: memref<512xi32, #tpu.memory_space<vmem>>, %arg9: memref<512xi32, #tpu.memory_space<vmem>>, %arg10: memref<512xi32, #tpu.memory_space<vmem>>, %arg11: memref<512x32xf32, #tpu.memory_space<vmem>>, %arg12: memref<512x32xf32, #tpu.memory_space<vmem>>, %arg13: memref<512x32xf32, #tpu.memory_space<vmem>>, %arg14: memref<512xf32, #tpu.memory_space<vmem>>, %arg15: memref<!tpu.dma_semaphore, #tpu.memory_space<semaphore_mem>>) attributes {dimension_semantics = [#tpu.dimension_semantics<core_parallel>, #tpu.dimension_semantics<subcore_parallel>], iteration_bounds = array<i64: 2, 16>, scalar_prefetch = 0 : i64, scratch_operands = 8 : i64, tpu.core_type = #tpu.core_type<sc_vector_subcore>, window_params = [{transform_indices = #map}, {transform_indices = #map}, {transform_indices = #map}, {transform_indices = #map1}, {transform_indices = #map1}, {transform_indices = #map}]} {
    %mul3A = arith.constant 2 : i32
    %mul3A_0 = arith.muli %arg1, %mul3A : i32
    %add3A = arith.addi %mul3A_0, %arg0 : i32
    %mul3A_1 = arith.constant 512 : i32
    %mul3A_2 = arith.muli %add3A, %mul3A_1 : i32
    "tpu.region"() ({
      %run_scoped3A = tpu.sem_alloc : memref<!tpu.dma_semaphore, #tpu.memory_space<semaphore_mem>>
      %dma_start3A_25 = tpu.memref_slice %arg2[%mul3A_2] : memref<16384xi32, #tpu.memory_space<hbm>> -> memref<512xi32, #tpu.memory_space<hbm>>
      %dma_start3A_26 = tpu.memref_slice %arg2[%mul3A_2] : memref<16384xi32, #tpu.memory_space<hbm>> -> memref<512xi32, #tpu.memory_space<hbm>>
      tpu.enqueue_dma source(%dma_start3A_26 : memref<512xi32, #tpu.memory_space<hbm>>) target(%arg8 : memref<512xi32, #tpu.memory_space<vmem>>) target_semaphore(%run_scoped3A : memref<!tpu.dma_semaphore, #tpu.memory_space<semaphore_mem>>)
      %dma_wait3A_27 = tpu.memref_slice %arg2[%mul3A_2] : memref<16384xi32, #tpu.memory_space<hbm>> -> memref<512xi32, #tpu.memory_space<hbm>>
      %dma_wait3A_28 = tpu.memref_slice %arg2[%mul3A_2] : memref<16384xi32, #tpu.memory_space<hbm>> -> memref<512xi32, #tpu.memory_space<hbm>>
      tpu.wait_dma2 semaphore(%run_scoped3A : memref<!tpu.dma_semaphore, #tpu.memory_space<semaphore_mem>>) src(%dma_wait3A_28 : memref<512xi32, #tpu.memory_space<hbm>>) dst(%arg8 : memref<512xi32, #tpu.memory_space<vmem>>)
      tpu.yield
    }) : () -> ()
    "tpu.region"() ({
      %run_scoped3A = tpu.sem_alloc : memref<!tpu.dma_semaphore, #tpu.memory_space<semaphore_mem>>
      %dma_start3A_25 = tpu.memref_slice %arg4[%mul3A_2] : memref<16384xi32, #tpu.memory_space<hbm>> -> memref<512xi32, #tpu.memory_space<hbm>>
      %dma_start3A_26 = tpu.memref_slice %arg4[%mul3A_2] : memref<16384xi32, #tpu.memory_space<hbm>> -> memref<512xi32, #tpu.memory_space<hbm>>
      tpu.enqueue_dma source(%dma_start3A_26 : memref<512xi32, #tpu.memory_space<hbm>>) target(%arg9 : memref<512xi32, #tpu.memory_space<vmem>>) target_semaphore(%run_scoped3A : memref<!tpu.dma_semaphore, #tpu.memory_space<semaphore_mem>>)
      %dma_wait3A_27 = tpu.memref_slice %arg4[%mul3A_2] : memref<16384xi32, #tpu.memory_space<hbm>> -> memref<512xi32, #tpu.memory_space<hbm>>
      %dma_wait3A_28 = tpu.memref_slice %arg4[%mul3A_2] : memref<16384xi32, #tpu.memory_space<hbm>> -> memref<512xi32, #tpu.memory_space<hbm>>
      tpu.wait_dma2 semaphore(%run_scoped3A : memref<!tpu.dma_semaphore, #tpu.memory_space<semaphore_mem>>) src(%dma_wait3A_28 : memref<512xi32, #tpu.memory_space<hbm>>) dst(%arg9 : memref<512xi32, #tpu.memory_space<vmem>>)
      tpu.yield
    }) : () -> ()
    "tpu.region"() ({
      %run_scoped3A = tpu.sem_alloc : memref<!tpu.dma_semaphore, #tpu.memory_space<semaphore_mem>>
      %dma_start3A_25 = tpu.memref_slice %arg3[%mul3A_2] : memref<16384xi32, #tpu.memory_space<hbm>> -> memref<512xi32, #tpu.memory_space<hbm>>
      %dma_start3A_26 = tpu.memref_slice %arg3[%mul3A_2] : memref<16384xi32, #tpu.memory_space<hbm>> -> memref<512xi32, #tpu.memory_space<hbm>>
      tpu.enqueue_dma source(%dma_start3A_26 : memref<512xi32, #tpu.memory_space<hbm>>) target(%arg10 : memref<512xi32, #tpu.memory_space<vmem>>) target_semaphore(%run_scoped3A : memref<!tpu.dma_semaphore, #tpu.memory_space<semaphore_mem>>)
      %dma_wait3A_27 = tpu.memref_slice %arg3[%mul3A_2] : memref<16384xi32, #tpu.memory_space<hbm>> -> memref<512xi32, #tpu.memory_space<hbm>>
      %dma_wait3A_28 = tpu.memref_slice %arg3[%mul3A_2] : memref<16384xi32, #tpu.memory_space<hbm>> -> memref<512xi32, #tpu.memory_space<hbm>>
      tpu.wait_dma2 semaphore(%run_scoped3A : memref<!tpu.dma_semaphore, #tpu.memory_space<semaphore_mem>>) src(%dma_wait3A_28 : memref<512xi32, #tpu.memory_space<hbm>>) dst(%arg10 : memref<512xi32, #tpu.memory_space<vmem>>)
      tpu.yield
    }) : () -> ()
    %dma_start3A = arith.constant 0 : i32
    %dma_start3A_3 = arith.constant 0 : i32
    %dma_start3A_4 = tpu.memref_slice %arg5[%dma_start3A, %dma_start3A_3] : memref<1000000x32xf32, #tpu.memory_space<hbm>> -> memref<1000000x32xf32, #tpu.memory_space<hbm>>
    tpu.enqueue_indirect_dma source(%dma_start3A_4 : memref<1000000x32xf32, #tpu.memory_space<hbm>>) target(%arg11 : memref<512x32xf32, #tpu.memory_space<vmem>>) offsets(%arg8 : memref<512xi32, #tpu.memory_space<vmem>>) semaphore(%arg15 : memref<!tpu.dma_semaphore, #tpu.memory_space<semaphore_mem>>)
    %dma_start3A_5 = arith.constant 0 : i32
    %dma_start3A_6 = arith.constant 0 : i32
    %dma_start3A_7 = tpu.memref_slice %arg5[%dma_start3A_5, %dma_start3A_6] : memref<1000000x32xf32, #tpu.memory_space<hbm>> -> memref<1000000x32xf32, #tpu.memory_space<hbm>>
    tpu.enqueue_indirect_dma source(%dma_start3A_7 : memref<1000000x32xf32, #tpu.memory_space<hbm>>) target(%arg12 : memref<512x32xf32, #tpu.memory_space<vmem>>) offsets(%arg9 : memref<512xi32, #tpu.memory_space<vmem>>) semaphore(%arg15 : memref<!tpu.dma_semaphore, #tpu.memory_space<semaphore_mem>>)
    %dma_start3A_8 = arith.constant 0 : i32
    %dma_start3A_9 = arith.constant 0 : i32
    %dma_start3A_10 = tpu.memref_slice %arg6[%dma_start3A_8, %dma_start3A_9] : memref<1000x32xf32, #tpu.memory_space<hbm>> -> memref<1000x32xf32, #tpu.memory_space<hbm>>
    tpu.enqueue_indirect_dma source(%dma_start3A_10 : memref<1000x32xf32, #tpu.memory_space<hbm>>) target(%arg13 : memref<512x32xf32, #tpu.memory_space<vmem>>) offsets(%arg10 : memref<512xi32, #tpu.memory_space<vmem>>) semaphore(%arg15 : memref<!tpu.dma_semaphore, #tpu.memory_space<semaphore_mem>>)
    %dma_wait3A = arith.constant 0 : i32
    %dma_wait3A_11 = arith.constant 0 : i32
    %dma_wait3A_12 = tpu.memref_slice %arg5[%dma_wait3A, %dma_wait3A_11] : memref<1000000x32xf32, #tpu.memory_space<hbm>> -> memref<1000000x32xf32, #tpu.memory_space<hbm>>
    tpu.wait_indirect_dma semaphore(%arg15 : memref<!tpu.dma_semaphore, #tpu.memory_space<semaphore_mem>>) src(%dma_wait3A_12 : memref<1000000x32xf32, #tpu.memory_space<hbm>>) dst(%arg11 : memref<512x32xf32, #tpu.memory_space<vmem>>)
    %dma_wait3A_13 = arith.constant 0 : i32
    %dma_wait3A_14 = arith.constant 0 : i32
    %dma_wait3A_15 = tpu.memref_slice %arg5[%dma_wait3A_13, %dma_wait3A_14] : memref<1000000x32xf32, #tpu.memory_space<hbm>> -> memref<1000000x32xf32, #tpu.memory_space<hbm>>
    tpu.wait_indirect_dma semaphore(%arg15 : memref<!tpu.dma_semaphore, #tpu.memory_space<semaphore_mem>>) src(%dma_wait3A_15 : memref<1000000x32xf32, #tpu.memory_space<hbm>>) dst(%arg12 : memref<512x32xf32, #tpu.memory_space<vmem>>)
    %dma_wait3A_16 = arith.constant 0 : i32
    %dma_wait3A_17 = arith.constant 0 : i32
    %dma_wait3A_18 = tpu.memref_slice %arg6[%dma_wait3A_16, %dma_wait3A_17] : memref<1000x32xf32, #tpu.memory_space<hbm>> -> memref<1000x32xf32, #tpu.memory_space<hbm>>
    tpu.wait_indirect_dma semaphore(%arg15 : memref<!tpu.dma_semaphore, #tpu.memory_space<semaphore_mem>>) src(%dma_wait3A_18 : memref<1000x32xf32, #tpu.memory_space<hbm>>) dst(%arg13 : memref<512x32xf32, #tpu.memory_space<vmem>>)
    %iota3A = tpu.iota {dimensions = array<i32: 0>} : vector<16xi32>
    %scan3A = arith.constant 0 : i32
    %scan3A_19 = arith.constant 0 : i32
    %scan3A_20 = arith.constant 32 : i32
    %scan3A_21 = arith.addi %scan3A_19, %scan3A_20 : i32
    %scan3A_22 = arith.constant 1 : i32
    %scan3A_23 = scf.for %scan3A_25 = %scan3A_19 to %scan3A_21 step %scan3A_22 iter_args(%scan3A_26 = %scan3A) -> (i32)  : i32 {
      %broadcast_in_dim3A = arith.constant 0.000000e+00 : f32
      %broadcast_in_dim3A_27 = vector.broadcast %broadcast_in_dim3A : f32 to vector<16xf32>
      %mul3A_28 = arith.constant 16 : i32
      %mul3A_29 = arith.muli %scan3A_25, %mul3A_28 : i32
      %add3A_30 = arith.constant 0 : i32
      %add3A_31 = arith.addi %mul3A_29, %add3A_30 : i32
      %get3A = arith.index_cast %add3A_31 : i32 to index
      %get3A_32 = arith.constant 0 : index
      %get3A_33 = tpu.vector_load %arg11[%get3A, %get3A_32] {strides = array<i32>} : memref<512x32xf32, #tpu.memory_space<vmem>>, vector<16xf32>,
      %get3A_34 = arith.index_cast %add3A_31 : i32 to index
      %get3A_35 = arith.constant 0 : index
      %get3A_36 = tpu.vector_load %arg13[%get3A_34, %get3A_35] {strides = array<i32>} : memref<512x32xf32, #tpu.memory_space<vmem>>, vector<16xf32>,
      %add3A_37 = arith.addf %get3A_33, %get3A_36 : vector<16xf32>
      %get3A_38 = arith.index_cast %add3A_31 : i32 to index
      %get3A_39 = arith.constant 0 : index
      %get3A_40 = tpu.vector_load %arg12[%get3A_38, %get3A_39] {strides = array<i32>} : memref<512x32xf32, #tpu.memory_space<vmem>>, vector<16xf32>,
      %sub3A = arith.subf %add3A_37, %get3A_40 : vector<16xf32>
      %abs3A = math.absf %sub3A : vector<16xf32>
      %get3A_41 = arith.index_cast %add3A_31 : i32 to index
      %get3A_42 = arith.constant 16 : index
      %get3A_43 = tpu.vector_load %arg11[%get3A_41, %get3A_42] {strides = array<i32>} : memref<512x32xf32, #tpu.memory_space<vmem>>, vector<16xf32>,
      %get3A_44 = arith.index_cast %add3A_31 : i32 to index
      %get3A_45 = arith.constant 16 : index
      %get3A_46 = tpu.vector_load %arg13[%get3A_44, %get3A_45] {strides = array<i32>} : memref<512x32xf32, #tpu.memory_space<vmem>>, vector<16xf32>,
      %add3A_47 = arith.addf %get3A_43, %get3A_46 : vector<16xf32>
      %get3A_48 = arith.index_cast %add3A_31 : i32 to index
      %get3A_49 = arith.constant 16 : index
      %get3A_50 = tpu.vector_load %arg12[%get3A_48, %get3A_49] {strides = array<i32>} : memref<512x32xf32, #tpu.memory_space<vmem>>, vector<16xf32>,
      %sub3A_51 = arith.subf %add3A_47, %get3A_50 : vector<16xf32>
      %abs3A_52 = math.absf %sub3A_51 : vector<16xf32>
      %eq3A = arith.constant 0 : i32
      %eq3A_53 = vector.broadcast %eq3A : i32 to vector<16xi32>
      %eq3A_54 = arith.cmpi eq, %iota3A, %eq3A_53 : vector<16xi32>
      %add3A_55 = arith.addf %abs3A, %abs3A_52 : vector<16xf32>
      %reduce_sum3A = arith.constant true
      %reduce_sum3A_56 = vector.broadcast %reduce_sum3A : i1 to vector<16xi1>
      %reduce_sum3A_57 = tpu.scan <sum>, %add3A_55 masked %reduce_sum3A_56 : vector<16xf32>, vector<16xi1> -> vector<16xf32>
      %reduce_sum3A_58 = vector.extract %reduce_sum3A_57[15] : f32 from vector<16xf32>
      %broadcast_in_dim3A_59 = vector.broadcast %reduce_sum3A_58 : f32 to vector<16xf32>
      %select_n3A = arith.select %eq3A_54, %broadcast_in_dim3A_59, %broadcast_in_dim3A_27 : vector<16xi1>, vector<16xf32>
      %mul3A_60 = arith.constant 16 : i32
      %mul3A_61 = arith.muli %scan3A_25, %mul3A_60 : i32
      %add3A_62 = arith.constant 1 : i32
      %add3A_63 = arith.addi %mul3A_61, %add3A_62 : i32
      %get3A_64 = arith.index_cast %add3A_63 : i32 to index
      %get3A_65 = arith.constant 0 : index
      %get3A_66 = tpu.vector_load %arg11[%get3A_64, %get3A_65] {strides = array<i32>} : memref<512x32xf32, #tpu.memory_space<vmem>>, vector<16xf32>,
      %get3A_67 = arith.index_cast %add3A_63 : i32 to index
      %get3A_68 = arith.constant 0 : index
      %get3A_69 = tpu.vector_load %arg13[%get3A_67, %get3A_68] {strides = array<i32>} : memref<512x32xf32, #tpu.memory_space<vmem>>, vector<16xf32>,
      %add3A_70 = arith.addf %get3A_66, %get3A_69 : vector<16xf32>
      %get3A_71 = arith.index_cast %add3A_63 : i32 to index
      %get3A_72 = arith.constant 0 : index
      %get3A_73 = tpu.vector_load %arg12[%get3A_71, %get3A_72] {strides = array<i32>} : memref<512x32xf32, #tpu.memory_space<vmem>>, vector<16xf32>,
      %sub3A_74 = arith.subf %add3A_70, %get3A_73 : vector<16xf32>
      %abs3A_75 = math.absf %sub3A_74 : vector<16xf32>
      %get3A_76 = arith.index_cast %add3A_63 : i32 to index
      %get3A_77 = arith.constant 16 : index
      %get3A_78 = tpu.vector_load %arg11[%get3A_76, %get3A_77] {strides = array<i32>} : memref<512x32xf32, #tpu.memory_space<vmem>>, vector<16xf32>,
      %get3A_79 = arith.index_cast %add3A_63 : i32 to index
      %get3A_80 = arith.constant 16 : index
      %get3A_81 = tpu.vector_load %arg13[%get3A_79, %get3A_80] {strides = array<i32>} : memref<512x32xf32, #tpu.memory_space<vmem>>, vector<16xf32>,
      %add3A_82 = arith.addf %get3A_78, %get3A_81 : vector<16xf32>
      %get3A_83 = arith.index_cast %add3A_63 : i32 to index
      %get3A_84 = arith.constant 16 : index
      %get3A_85 = tpu.vector_load %arg12[%get3A_83, %get3A_84] {strides = array<i32>} : memref<512x32xf32, #tpu.memory_space<vmem>>, vector<16xf32>,
      %sub3A_86 = arith.subf %add3A_82, %get3A_85 : vector<16xf32>
      %abs3A_87 = math.absf %sub3A_86 : vector<16xf32>
      %eq3A_88 = arith.constant 1 : i32
      %eq3A_89 = vector.broadcast %eq3A_88 : i32 to vector<16xi32>
      %eq3A_90 = arith.cmpi eq, %iota3A, %eq3A_89 : vector<16xi32>
      %add3A_91 = arith.addf %abs3A_75, %abs3A_87 : vector<16xf32>
      %reduce_sum3A_92 = arith.constant true
      %reduce_sum3A_93 = vector.broadcast %reduce_sum3A_92 : i1 to vector<16xi1>
      %reduce_sum3A_94 = tpu.scan <sum>, %add3A_91 masked %reduce_sum3A_93 : vector<16xf32>, vector<16xi1> -> vector<16xf32>
      %reduce_sum3A_95 = vector.extract %reduce_sum3A_94[15] : f32 from vector<16xf32>
      %broadcast_in_dim3A_96 = vector.broadcast %reduce_sum3A_95 : f32 to vector<16xf32>
      %select_n3A_97 = arith.select %eq3A_90, %broadcast_in_dim3A_96, %select_n3A : vector<16xi1>, vector<16xf32>
      %mul3A_98 = arith.constant 16 : i32
      %mul3A_99 = arith.muli %scan3A_25, %mul3A_98 : i32
      %add3A_100 = arith.constant 2 : i32
      %add3A_101 = arith.addi %mul3A_99, %add3A_100 : i32
      %get3A_102 = arith.index_cast %add3A_101 : i32 to index
      %get3A_103 = arith.constant 0 : index
      %get3A_104 = tpu.vector_load %arg11[%get3A_102, %get3A_103] {strides = array<i32>} : memref<512x32xf32, #tpu.memory_space<vmem>>, vector<16xf32>,
      %get3A_105 = arith.index_cast %add3A_101 : i32 to index
      %get3A_106 = arith.constant 0 : index
      %get3A_107 = tpu.vector_load %arg13[%get3A_105, %get3A_106] {strides = array<i32>} : memref<512x32xf32, #tpu.memory_space<vmem>>, vector<16xf32>,
      %add3A_108 = arith.addf %get3A_104, %get3A_107 : vector<16xf32>
      %get3A_109 = arith.index_cast %add3A_101 : i32 to index
      %get3A_110 = arith.constant 0 : index
      %get3A_111 = tpu.vector_load %arg12[%get3A_109, %get3A_110] {strides = array<i32>} : memref<512x32xf32, #tpu.memory_space<vmem>>, vector<16xf32>,
      %sub3A_112 = arith.subf %add3A_108, %get3A_111 : vector<16xf32>
      %abs3A_113 = math.absf %sub3A_112 : vector<16xf32>
      %get3A_114 = arith.index_cast %add3A_101 : i32 to index
      %get3A_115 = arith.constant 16 : index
      %get3A_116 = tpu.vector_load %arg11[%get3A_114, %get3A_115] {strides = array<i32>} : memref<512x32xf32, #tpu.memory_space<vmem>>, vector<16xf32>,
      %get3A_117 = arith.index_cast %add3A_101 : i32 to index
      %get3A_118 = arith.constant 16 : index
      %get3A_119 = tpu.vector_load %arg13[%get3A_117, %get3A_118] {strides = array<i32>} : memref<512x32xf32, #tpu.memory_space<vmem>>, vector<16xf32>,
      %add3A_120 = arith.addf %get3A_116, %get3A_119 : vector<16xf32>
      %get3A_121 = arith.index_cast %add3A_101 : i32 to index
      %get3A_122 = arith.constant 16 : index
      %get3A_123 = tpu.vector_load %arg12[%get3A_121, %get3A_122] {strides = array<i32>} : memref<512x32xf32, #tpu.memory_space<vmem>>, vector<16xf32>,
      %sub3A_124 = arith.subf %add3A_120, %get3A_123 : vector<16xf32>
      %abs3A_125 = math.absf %sub3A_124 : vector<16xf32>
      %eq3A_126 = arith.constant 2 : i32
      %eq3A_127 = vector.broadcast %eq3A_126 : i32 to vector<16xi32>
      %eq3A_128 = arith.cmpi eq, %iota3A, %eq3A_127 : vector<16xi32>
      %add3A_129 = arith.addf %abs3A_113, %abs3A_125 : vector<16xf32>
      %reduce_sum3A_130 = arith.constant true
      %reduce_sum3A_131 = vector.broadcast %reduce_sum3A_130 : i1 to vector<16xi1>
      %reduce_sum3A_132 = tpu.scan <sum>, %add3A_129 masked %reduce_sum3A_131 : vector<16xf32>, vector<16xi1> -> vector<16xf32>
      %reduce_sum3A_133 = vector.extract %reduce_sum3A_132[15] : f32 from vector<16xf32>
      %broadcast_in_dim3A_134 = vector.broadcast %reduce_sum3A_133 : f32 to vector<16xf32>
      %select_n3A_135 = arith.select %eq3A_128, %broadcast_in_dim3A_134, %select_n3A_97 : vector<16xi1>, vector<16xf32>
      %mul3A_136 = arith.constant 16 : i32
      %mul3A_137 = arith.muli %scan3A_25, %mul3A_136 : i32
      %add3A_138 = arith.constant 3 : i32
      %add3A_139 = arith.addi %mul3A_137, %add3A_138 : i32
      %get3A_140 = arith.index_cast %add3A_139 : i32 to index
      %get3A_141 = arith.constant 0 : index
      %get3A_142 = tpu.vector_load %arg11[%get3A_140, %get3A_141] {strides = array<i32>} : memref<512x32xf32, #tpu.memory_space<vmem>>, vector<16xf32>,
      %get3A_143 = arith.index_cast %add3A_139 : i32 to index
      %get3A_144 = arith.constant 0 : index
      %get3A_145 = tpu.vector_load %arg13[%get3A_143, %get3A_144] {strides = array<i32>} : memref<512x32xf32, #tpu.memory_space<vmem>>, vector<16xf32>,
      %add3A_146 = arith.addf %get3A_142, %get3A_145 : vector<16xf32>
      %get3A_147 = arith.index_cast %add3A_139 : i32 to index
      %get3A_148 = arith.constant 0 : index
      %get3A_149 = tpu.vector_load %arg12[%get3A_147, %get3A_148] {strides = array<i32>} : memref<512x32xf32, #tpu.memory_space<vmem>>, vector<16xf32>,
      %sub3A_150 = arith.subf %add3A_146, %get3A_149 : vector<16xf32>
      %abs3A_151 = math.absf %sub3A_150 : vector<16xf32>
      %get3A_152 = arith.index_cast %add3A_139 : i32 to index
      %get3A_153 = arith.constant 16 : index
      %get3A_154 = tpu.vector_load %arg11[%get3A_152, %get3A_153] {strides = array<i32>} : memref<512x32xf32, #tpu.memory_space<vmem>>, vector<16xf32>,
      %get3A_155 = arith.index_cast %add3A_139 : i32 to index
      %get3A_156 = arith.constant 16 : index
      %get3A_157 = tpu.vector_load %arg13[%get3A_155, %get3A_156] {strides = array<i32>} : memref<512x32xf32, #tpu.memory_space<vmem>>, vector<16xf32>,
      %add3A_158 = arith.addf %get3A_154, %get3A_157 : vector<16xf32>
      %get3A_159 = arith.index_cast %add3A_139 : i32 to index
      %get3A_160 = arith.constant 16 : index
      %get3A_161 = tpu.vector_load %arg12[%get3A_159, %get3A_160] {strides = array<i32>} : memref<512x32xf32, #tpu.memory_space<vmem>>, vector<16xf32>,
      %sub3A_162 = arith.subf %add3A_158, %get3A_161 : vector<16xf32>
      %abs3A_163 = math.absf %sub3A_162 : vector<16xf32>
      %eq3A_164 = arith.constant 3 : i32
      %eq3A_165 = vector.broadcast %eq3A_164 : i32 to vector<16xi32>
      %eq3A_166 = arith.cmpi eq, %iota3A, %eq3A_165 : vector<16xi32>
      %add3A_167 = arith.addf %abs3A_151, %abs3A_163 : vector<16xf32>
      %reduce_sum3A_168 = arith.constant true
      %reduce_sum3A_169 = vector.broadcast %reduce_sum3A_168 : i1 to vector<16xi1>
      %reduce_sum3A_170 = tpu.scan <sum>, %add3A_167 masked %reduce_sum3A_169 : vector<16xf32>, vector<16xi1> -> vector<16xf32>
      %reduce_sum3A_171 = vector.extract %reduce_sum3A_170[15] : f32 from vector<16xf32>
      %broadcast_in_dim3A_172 = vector.broadcast %reduce_sum3A_171 : f32 to vector<16xf32>
      %select_n3A_173 = arith.select %eq3A_166, %broadcast_in_dim3A_172, %select_n3A_135 : vector<16xi1>, vector<16xf32>
      %mul3A_174 = arith.constant 16 : i32
      %mul3A_175 = arith.muli %scan3A_25, %mul3A_174 : i32
      %add3A_176 = arith.constant 4 : i32
      %add3A_177 = arith.addi %mul3A_175, %add3A_176 : i32
      %get3A_178 = arith.index_cast %add3A_177 : i32 to index
      %get3A_179 = arith.constant 0 : index
      %get3A_180 = tpu.vector_load %arg11[%get3A_178, %get3A_179] {strides = array<i32>} : memref<512x32xf32, #tpu.memory_space<vmem>>, vector<16xf32>,
      %get3A_181 = arith.index_cast %add3A_177 : i32 to index
      %get3A_182 = arith.constant 0 : index
      %get3A_183 = tpu.vector_load %arg13[%get3A_181, %get3A_182] {strides = array<i32>} : memref<512x32xf32, #tpu.memory_space<vmem>>, vector<16xf32>,
      %add3A_184 = arith.addf %get3A_180, %get3A_183 : vector<16xf32>
      %get3A_185 = arith.index_cast %add3A_177 : i32 to index
      %get3A_186 = arith.constant 0 : index
      %get3A_187 = tpu.vector_load %arg12[%get3A_185, %get3A_186] {strides = array<i32>} : memref<512x32xf32, #tpu.memory_space<vmem>>, vector<16xf32>,
      %sub3A_188 = arith.subf %add3A_184, %get3A_187 : vector<16xf32>
      %abs3A_189 = math.absf %sub3A_188 : vector<16xf32>
      %get3A_190 = arith.index_cast %add3A_177 : i32 to index
      %get3A_191 = arith.constant 16 : index
      %get3A_192 = tpu.vector_load %arg11[%get3A_190, %get3A_191] {strides = array<i32>} : memref<512x32xf32, #tpu.memory_space<vmem>>, vector<16xf32>,
      %get3A_193 = arith.index_cast %add3A_177 : i32 to index
      %get3A_194 = arith.constant 16 : index
      %get3A_195 = tpu.vector_load %arg13[%get3A_193, %get3A_194] {strides = array<i32>} : memref<512x32xf32, #tpu.memory_space<vmem>>, vector<16xf32>,
      %add3A_196 = arith.addf %get3A_192, %get3A_195 : vector<16xf32>
      %get3A_197 = arith.index_cast %add3A_177 : i32 to index
      %get3A_198 = arith.constant 16 : index
      %get3A_199 = tpu.vector_load %arg12[%get3A_197, %get3A_198] {strides = array<i32>} : memref<512x32xf32, #tpu.memory_space<vmem>>, vector<16xf32>,
      %sub3A_200 = arith.subf %add3A_196, %get3A_199 : vector<16xf32>
      %abs3A_201 = math.absf %sub3A_200 : vector<16xf32>
      %eq3A_202 = arith.constant 4 : i32
      %eq3A_203 = vector.broadcast %eq3A_202 : i32 to vector<16xi32>
      %eq3A_204 = arith.cmpi eq, %iota3A, %eq3A_203 : vector<16xi32>
      %add3A_205 = arith.addf %abs3A_189, %abs3A_201 : vector<16xf32>
      %reduce_sum3A_206 = arith.constant true
      %reduce_sum3A_207 = vector.broadcast %reduce_sum3A_206 : i1 to vector<16xi1>
      %reduce_sum3A_208 = tpu.scan <sum>, %add3A_205 masked %reduce_sum3A_207 : vector<16xf32>, vector<16xi1> -> vector<16xf32>
      %reduce_sum3A_209 = vector.extract %reduce_sum3A_208[15] : f32 from vector<16xf32>
      %broadcast_in_dim3A_210 = vector.broadcast %reduce_sum3A_209 : f32 to vector<16xf32>
      %select_n3A_211 = arith.select %eq3A_204, %broadcast_in_dim3A_210, %select_n3A_173 : vector<16xi1>, vector<16xf32>
      %mul3A_212 = arith.constant 16 : i32
      %mul3A_213 = arith.muli %scan3A_25, %mul3A_212 : i32
      %add3A_214 = arith.constant 5 : i32
      %add3A_215 = arith.addi %mul3A_213, %add3A_214 : i32
      %get3A_216 = arith.index_cast %add3A_215 : i32 to index
      %get3A_217 = arith.constant 0 : index
      %get3A_218 = tpu.vector_load %arg11[%get3A_216, %get3A_217] {strides = array<i32>} : memref<512x32xf32, #tpu.memory_space<vmem>>, vector<16xf32>,
      %get3A_219 = arith.index_cast %add3A_215 : i32 to index
      %get3A_220 = arith.constant 0 : index
      %get3A_221 = tpu.vector_load %arg13[%get3A_219, %get3A_220] {strides = array<i32>} : memref<512x32xf32, #tpu.memory_space<vmem>>, vector<16xf32>,
      %add3A_222 = arith.addf %get3A_218, %get3A_221 : vector<16xf32>
      %get3A_223 = arith.index_cast %add3A_215 : i32 to index
      %get3A_224 = arith.constant 0 : index
      %get3A_225 = tpu.vector_load %arg12[%get3A_223, %get3A_224] {strides = array<i32>} : memref<512x32xf32, #tpu.memory_space<vmem>>, vector<16xf32>,
      %sub3A_226 = arith.subf %add3A_222, %get3A_225 : vector<16xf32>
      %abs3A_227 = math.absf %sub3A_226 : vector<16xf32>
      %get3A_228 = arith.index_cast %add3A_215 : i32 to index
      %get3A_229 = arith.constant 16 : index
      %get3A_230 = tpu.vector_load %arg11[%get3A_228, %get3A_229] {strides = array<i32>} : memref<512x32xf32, #tpu.memory_space<vmem>>, vector<16xf32>,
      %get3A_231 = arith.index_cast %add3A_215 : i32 to index
      %get3A_232 = arith.constant 16 : index
      %get3A_233 = tpu.vector_load %arg13[%get3A_231, %get3A_232] {strides = array<i32>} : memref<512x32xf32, #tpu.memory_space<vmem>>, vector<16xf32>,
      %add3A_234 = arith.addf %get3A_230, %get3A_233 : vector<16xf32>
      %get3A_235 = arith.index_cast %add3A_215 : i32 to index
      %get3A_236 = arith.constant 16 : index
      %get3A_237 = tpu.vector_load %arg12[%get3A_235, %get3A_236] {strides = array<i32>} : memref<512x32xf32, #tpu.memory_space<vmem>>, vector<16xf32>,
      %sub3A_238 = arith.subf %add3A_234, %get3A_237 : vector<16xf32>
      %abs3A_239 = math.absf %sub3A_238 : vector<16xf32>
      %eq3A_240 = arith.constant 5 : i32
      %eq3A_241 = vector.broadcast %eq3A_240 : i32 to vector<16xi32>
      %eq3A_242 = arith.cmpi eq, %iota3A, %eq3A_241 : vector<16xi32>
      %add3A_243 = arith.addf %abs3A_227, %abs3A_239 : vector<16xf32>
      %reduce_sum3A_244 = arith.constant true
      %reduce_sum3A_245 = vector.broadcast %reduce_sum3A_244 : i1 to vector<16xi1>
      %reduce_sum3A_246 = tpu.scan <sum>, %add3A_243 masked %reduce_sum3A_245 : vector<16xf32>, vector<16xi1> -> vector<16xf32>
      %reduce_sum3A_247 = vector.extract %reduce_sum3A_246[15] : f32 from vector<16xf32>
      %broadcast_in_dim3A_248 = vector.broadcast %reduce_sum3A_247 : f32 to vector<16xf32>
      %select_n3A_249 = arith.select %eq3A_242, %broadcast_in_dim3A_248, %select_n3A_211 : vector<16xi1>, vector<16xf32>
      %mul3A_250 = arith.constant 16 : i32
      %mul3A_251 = arith.muli %scan3A_25, %mul3A_250 : i32
      %add3A_252 = arith.constant 6 : i32
      %add3A_253 = arith.addi %mul3A_251, %add3A_252 : i32
      %get3A_254 = arith.index_cast %add3A_253 : i32 to index
      %get3A_255 = arith.constant 0 : index
      %get3A_256 = tpu.vector_load %arg11[%get3A_254, %get3A_255] {strides = array<i32>} : memref<512x32xf32, #tpu.memory_space<vmem>>, vector<16xf32>,
      %get3A_257 = arith.index_cast %add3A_253 : i32 to index
      %get3A_258 = arith.constant 0 : index
      %get3A_259 = tpu.vector_load %arg13[%get3A_257, %get3A_258] {strides = array<i32>} : memref<512x32xf32, #tpu.memory_space<vmem>>, vector<16xf32>,
      %add3A_260 = arith.addf %get3A_256, %get3A_259 : vector<16xf32>
      %get3A_261 = arith.index_cast %add3A_253 : i32 to index
      %get3A_262 = arith.constant 0 : index
      %get3A_263 = tpu.vector_load %arg12[%get3A_261, %get3A_262] {strides = array<i32>} : memref<512x32xf32, #tpu.memory_space<vmem>>, vector<16xf32>,
      %sub3A_264 = arith.subf %add3A_260, %get3A_263 : vector<16xf32>
      %abs3A_265 = math.absf %sub3A_264 : vector<16xf32>
      %get3A_266 = arith.index_cast %add3A_253 : i32 to index
      %get3A_267 = arith.constant 16 : index
      %get3A_268 = tpu.vector_load %arg11[%get3A_266, %get3A_267] {strides = array<i32>} : memref<512x32xf32, #tpu.memory_space<vmem>>, vector<16xf32>,
      %get3A_269 = arith.index_cast %add3A_253 : i32 to index
      %get3A_270 = arith.constant 16 : index
      %get3A_271 = tpu.vector_load %arg13[%get3A_269, %get3A_270] {strides = array<i32>} : memref<512x32xf32, #tpu.memory_space<vmem>>, vector<16xf32>,
      %add3A_272 = arith.addf %get3A_268, %get3A_271 : vector<16xf32>
      %get3A_273 = arith.index_cast %add3A_253 : i32 to index
      %get3A_274 = arith.constant 16 : index
      %get3A_275 = tpu.vector_load %arg12[%get3A_273, %get3A_274] {strides = array<i32>} : memref<512x32xf32, #tpu.memory_space<vmem>>, vector<16xf32>,
      %sub3A_276 = arith.subf %add3A_272, %get3A_275 : vector<16xf32>
      %abs3A_277 = math.absf %sub3A_276 : vector<16xf32>
      %eq3A_278 = arith.constant 6 : i32
      %eq3A_279 = vector.broadcast %eq3A_278 : i32 to vector<16xi32>
      %eq3A_280 = arith.cmpi eq, %iota3A, %eq3A_279 : vector<16xi32>
      %add3A_281 = arith.addf %abs3A_265, %abs3A_277 : vector<16xf32>
      %reduce_sum3A_282 = arith.constant true
      %reduce_sum3A_283 = vector.broadcast %reduce_sum3A_282 : i1 to vector<16xi1>
      %reduce_sum3A_284 = tpu.scan <sum>, %add3A_281 masked %reduce_sum3A_283 : vector<16xf32>, vector<16xi1> -> vector<16xf32>
      %reduce_sum3A_285 = vector.extract %reduce_sum3A_284[15] : f32 from vector<16xf32>
      %broadcast_in_dim3A_286 = vector.broadcast %reduce_sum3A_285 : f32 to vector<16xf32>
      %select_n3A_287 = arith.select %eq3A_280, %broadcast_in_dim3A_286, %select_n3A_249 : vector<16xi1>, vector<16xf32>
      %mul3A_288 = arith.constant 16 : i32
      %mul3A_289 = arith.muli %scan3A_25, %mul3A_288 : i32
      %add3A_290 = arith.constant 7 : i32
      %add3A_291 = arith.addi %mul3A_289, %add3A_290 : i32
      %get3A_292 = arith.index_cast %add3A_291 : i32 to index
      %get3A_293 = arith.constant 0 : index
      %get3A_294 = tpu.vector_load %arg11[%get3A_292, %get3A_293] {strides = array<i32>} : memref<512x32xf32, #tpu.memory_space<vmem>>, vector<16xf32>,
      %get3A_295 = arith.index_cast %add3A_291 : i32 to index
      %get3A_296 = arith.constant 0 : index
      %get3A_297 = tpu.vector_load %arg13[%get3A_295, %get3A_296] {strides = array<i32>} : memref<512x32xf32, #tpu.memory_space<vmem>>, vector<16xf32>,
      %add3A_298 = arith.addf %get3A_294, %get3A_297 : vector<16xf32>
      %get3A_299 = arith.index_cast %add3A_291 : i32 to index
      %get3A_300 = arith.constant 0 : index
      %get3A_301 = tpu.vector_load %arg12[%get3A_299, %get3A_300] {strides = array<i32>} : memref<512x32xf32, #tpu.memory_space<vmem>>, vector<16xf32>,
      %sub3A_302 = arith.subf %add3A_298, %get3A_301 : vector<16xf32>
      %abs3A_303 = math.absf %sub3A_302 : vector<16xf32>
      %get3A_304 = arith.index_cast %add3A_291 : i32 to index
      %get3A_305 = arith.constant 16 : index
      %get3A_306 = tpu.vector_load %arg11[%get3A_304, %get3A_305] {strides = array<i32>} : memref<512x32xf32, #tpu.memory_space<vmem>>, vector<16xf32>,
      %get3A_307 = arith.index_cast %add3A_291 : i32 to index
      %get3A_308 = arith.constant 16 : index
      %get3A_309 = tpu.vector_load %arg13[%get3A_307, %get3A_308] {strides = array<i32>} : memref<512x32xf32, #tpu.memory_space<vmem>>, vector<16xf32>,
      %add3A_310 = arith.addf %get3A_306, %get3A_309 : vector<16xf32>
      %get3A_311 = arith.index_cast %add3A_291 : i32 to index
      %get3A_312 = arith.constant 16 : index
      %get3A_313 = tpu.vector_load %arg12[%get3A_311, %get3A_312] {strides = array<i32>} : memref<512x32xf32, #tpu.memory_space<vmem>>, vector<16xf32>,
      %sub3A_314 = arith.subf %add3A_310, %get3A_313 : vector<16xf32>
      %abs3A_315 = math.absf %sub3A_314 : vector<16xf32>
      %eq3A_316 = arith.constant 7 : i32
      %eq3A_317 = vector.broadcast %eq3A_316 : i32 to vector<16xi32>
      %eq3A_318 = arith.cmpi eq, %iota3A, %eq3A_317 : vector<16xi32>
      %add3A_319 = arith.addf %abs3A_303, %abs3A_315 : vector<16xf32>
      %reduce_sum3A_320 = arith.constant true
      %reduce_sum3A_321 = vector.broadcast %reduce_sum3A_320 : i1 to vector<16xi1>
      %reduce_sum3A_322 = tpu.scan <sum>, %add3A_319 masked %reduce_sum3A_321 : vector<16xf32>, vector<16xi1> -> vector<16xf32>
      %reduce_sum3A_323 = vector.extract %reduce_sum3A_322[15] : f32 from vector<16xf32>
      %broadcast_in_dim3A_324 = vector.broadcast %reduce_sum3A_323 : f32 to vector<16xf32>
      %select_n3A_325 = arith.select %eq3A_318, %broadcast_in_dim3A_324, %select_n3A_287 : vector<16xi1>, vector<16xf32>
      %mul3A_326 = arith.constant 16 : i32
      %mul3A_327 = arith.muli %scan3A_25, %mul3A_326 : i32
      %add3A_328 = arith.constant 8 : i32
      %add3A_329 = arith.addi %mul3A_327, %add3A_328 : i32
      %get3A_330 = arith.index_cast %add3A_329 : i32 to index
      %get3A_331 = arith.constant 0 : index
      %get3A_332 = tpu.vector_load %arg11[%get3A_330, %get3A_331] {strides = array<i32>} : memref<512x32xf32, #tpu.memory_space<vmem>>, vector<16xf32>,
      %get3A_333 = arith.index_cast %add3A_329 : i32 to index
      %get3A_334 = arith.constant 0 : index
      %get3A_335 = tpu.vector_load %arg13[%get3A_333, %get3A_334] {strides = array<i32>} : memref<512x32xf32, #tpu.memory_space<vmem>>, vector<16xf32>,
      %add3A_336 = arith.addf %get3A_332, %get3A_335 : vector<16xf32>
      %get3A_337 = arith.index_cast %add3A_329 : i32 to index
      %get3A_338 = arith.constant 0 : index
      %get3A_339 = tpu.vector_load %arg12[%get3A_337, %get3A_338] {strides = array<i32>} : memref<512x32xf32, #tpu.memory_space<vmem>>, vector<16xf32>,
      %sub3A_340 = arith.subf %add3A_336, %get3A_339 : vector<16xf32>
      %abs3A_341 = math.absf %sub3A_340 : vector<16xf32>
      %get3A_342 = arith.index_cast %add3A_329 : i32 to index
      %get3A_343 = arith.constant 16 : index
      %get3A_344 = tpu.vector_load %arg11[%get3A_342, %get3A_343] {strides = array<i32>} : memref<512x32xf32, #tpu.memory_space<vmem>>, vector<16xf32>,
      %get3A_345 = arith.index_cast %add3A_329 : i32 to index
      %get3A_346 = arith.constant 16 : index
      %get3A_347 = tpu.vector_load %arg13[%get3A_345, %get3A_346] {strides = array<i32>} : memref<512x32xf32, #tpu.memory_space<vmem>>, vector<16xf32>,
      %add3A_348 = arith.addf %get3A_344, %get3A_347 : vector<16xf32>
      %get3A_349 = arith.index_cast %add3A_329 : i32 to index
      %get3A_350 = arith.constant 16 : index
      %get3A_351 = tpu.vector_load %arg12[%get3A_349, %get3A_350] {strides = array<i32>} : memref<512x32xf32, #tpu.memory_space<vmem>>, vector<16xf32>,
      %sub3A_352 = arith.subf %add3A_348, %get3A_351 : vector<16xf32>
      %abs3A_353 = math.absf %sub3A_352 : vector<16xf32>
      %eq3A_354 = arith.constant 8 : i32
      %eq3A_355 = vector.broadcast %eq3A_354 : i32 to vector<16xi32>
      %eq3A_356 = arith.cmpi eq, %iota3A, %eq3A_355 : vector<16xi32>
      %add3A_357 = arith.addf %abs3A_341, %abs3A_353 : vector<16xf32>
      %reduce_sum3A_358 = arith.constant true
      %reduce_sum3A_359 = vector.broadcast %reduce_sum3A_358 : i1 to vector<16xi1>
      %reduce_sum3A_360 = tpu.scan <sum>, %add3A_357 masked %reduce_sum3A_359 : vector<16xf32>, vector<16xi1> -> vector<16xf32>
      %reduce_sum3A_361 = vector.extract %reduce_sum3A_360[15] : f32 from vector<16xf32>
      %broadcast_in_dim3A_362 = vector.broadcast %reduce_sum3A_361 : f32 to vector<16xf32>
      %select_n3A_363 = arith.select %eq3A_356, %broadcast_in_dim3A_362, %select_n3A_325 : vector<16xi1>, vector<16xf32>
      %mul3A_364 = arith.constant 16 : i32
      %mul3A_365 = arith.muli %scan3A_25, %mul3A_364 : i32
      %add3A_366 = arith.constant 9 : i32
      %add3A_367 = arith.addi %mul3A_365, %add3A_366 : i32
      %get3A_368 = arith.index_cast %add3A_367 : i32 to index
      %get3A_369 = arith.constant 0 : index
      %get3A_370 = tpu.vector_load %arg11[%get3A_368, %get3A_369] {strides = array<i32>} : memref<512x32xf32, #tpu.memory_space<vmem>>, vector<16xf32>,
      %get3A_371 = arith.index_cast %add3A_367 : i32 to index
      %get3A_372 = arith.constant 0 : index
      %get3A_373 = tpu.vector_load %arg13[%get3A_371, %get3A_372] {strides = array<i32>} : memref<512x32xf32, #tpu.memory_space<vmem>>, vector<16xf32>,
      %add3A_374 = arith.addf %get3A_370, %get3A_373 : vector<16xf32>
      %get3A_375 = arith.index_cast %add3A_367 : i32 to index
      %get3A_376 = arith.constant 0 : index
      %get3A_377 = tpu.vector_load %arg12[%get3A_375, %get3A_376] {strides = array<i32>} : memref<512x32xf32, #tpu.memory_space<vmem>>, vector<16xf32>,
      %sub3A_378 = arith.subf %add3A_374, %get3A_377 : vector<16xf32>
      %abs3A_379 = math.absf %sub3A_378 : vector<16xf32>
      %get3A_380 = arith.index_cast %add3A_367 : i32 to index
      %get3A_381 = arith.constant 16 : index
      %get3A_382 = tpu.vector_load %arg11[%get3A_380, %get3A_381] {strides = array<i32>} : memref<512x32xf32, #tpu.memory_space<vmem>>, vector<16xf32>,
      %get3A_383 = arith.index_cast %add3A_367 : i32 to index
      %get3A_384 = arith.constant 16 : index
      %get3A_385 = tpu.vector_load %arg13[%get3A_383, %get3A_384] {strides = array<i32>} : memref<512x32xf32, #tpu.memory_space<vmem>>, vector<16xf32>,
      %add3A_386 = arith.addf %get3A_382, %get3A_385 : vector<16xf32>
      %get3A_387 = arith.index_cast %add3A_367 : i32 to index
      %get3A_388 = arith.constant 16 : index
      %get3A_389 = tpu.vector_load %arg12[%get3A_387, %get3A_388] {strides = array<i32>} : memref<512x32xf32, #tpu.memory_space<vmem>>, vector<16xf32>,
      %sub3A_390 = arith.subf %add3A_386, %get3A_389 : vector<16xf32>
      %abs3A_391 = math.absf %sub3A_390 : vector<16xf32>
      %eq3A_392 = arith.constant 9 : i32
      %eq3A_393 = vector.broadcast %eq3A_392 : i32 to vector<16xi32>
      %eq3A_394 = arith.cmpi eq, %iota3A, %eq3A_393 : vector<16xi32>
      %add3A_395 = arith.addf %abs3A_379, %abs3A_391 : vector<16xf32>
      %reduce_sum3A_396 = arith.constant true
      %reduce_sum3A_397 = vector.broadcast %reduce_sum3A_396 : i1 to vector<16xi1>
      %reduce_sum3A_398 = tpu.scan <sum>, %add3A_395 masked %reduce_sum3A_397 : vector<16xf32>, vector<16xi1> -> vector<16xf32>
      %reduce_sum3A_399 = vector.extract %reduce_sum3A_398[15] : f32 from vector<16xf32>
      %broadcast_in_dim3A_400 = vector.broadcast %reduce_sum3A_399 : f32 to vector<16xf32>
      %select_n3A_401 = arith.select %eq3A_394, %broadcast_in_dim3A_400, %select_n3A_363 : vector<16xi1>, vector<16xf32>
      %mul3A_402 = arith.constant 16 : i32
      %mul3A_403 = arith.muli %scan3A_25, %mul3A_402 : i32
      %add3A_404 = arith.constant 10 : i32
      %add3A_405 = arith.addi %mul3A_403, %add3A_404 : i32
      %get3A_406 = arith.index_cast %add3A_405 : i32 to index
      %get3A_407 = arith.constant 0 : index
      %get3A_408 = tpu.vector_load %arg11[%get3A_406, %get3A_407] {strides = array<i32>} : memref<512x32xf32, #tpu.memory_space<vmem>>, vector<16xf32>,
      %get3A_409 = arith.index_cast %add3A_405 : i32 to index
      %get3A_410 = arith.constant 0 : index
      %get3A_411 = tpu.vector_load %arg13[%get3A_409, %get3A_410] {strides = array<i32>} : memref<512x32xf32, #tpu.memory_space<vmem>>, vector<16xf32>,
      %add3A_412 = arith.addf %get3A_408, %get3A_411 : vector<16xf32>
      %get3A_413 = arith.index_cast %add3A_405 : i32 to index
      %get3A_414 = arith.constant 0 : index
      %get3A_415 = tpu.vector_load %arg12[%get3A_413, %get3A_414] {strides = array<i32>} : memref<512x32xf32, #tpu.memory_space<vmem>>, vector<16xf32>,
      %sub3A_416 = arith.subf %add3A_412, %get3A_415 : vector<16xf32>
      %abs3A_417 = math.absf %sub3A_416 : vector<16xf32>
      %get3A_418 = arith.index_cast %add3A_405 : i32 to index
      %get3A_419 = arith.constant 16 : index
      %get3A_420 = tpu.vector_load %arg11[%get3A_418, %get3A_419] {strides = array<i32>} : memref<512x32xf32, #tpu.memory_space<vmem>>, vector<16xf32>,
      %get3A_421 = arith.index_cast %add3A_405 : i32 to index
      %get3A_422 = arith.constant 16 : index
      %get3A_423 = tpu.vector_load %arg13[%get3A_421, %get3A_422] {strides = array<i32>} : memref<512x32xf32, #tpu.memory_space<vmem>>, vector<16xf32>,
      %add3A_424 = arith.addf %get3A_420, %get3A_423 : vector<16xf32>
      %get3A_425 = arith.index_cast %add3A_405 : i32 to index
      %get3A_426 = arith.constant 16 : index
      %get3A_427 = tpu.vector_load %arg12[%get3A_425, %get3A_426] {strides = array<i32>} : memref<512x32xf32, #tpu.memory_space<vmem>>, vector<16xf32>,
      %sub3A_428 = arith.subf %add3A_424, %get3A_427 : vector<16xf32>
      %abs3A_429 = math.absf %sub3A_428 : vector<16xf32>
      %eq3A_430 = arith.constant 10 : i32
      %eq3A_431 = vector.broadcast %eq3A_430 : i32 to vector<16xi32>
      %eq3A_432 = arith.cmpi eq, %iota3A, %eq3A_431 : vector<16xi32>
      %add3A_433 = arith.addf %abs3A_417, %abs3A_429 : vector<16xf32>
      %reduce_sum3A_434 = arith.constant true
      %reduce_sum3A_435 = vector.broadcast %reduce_sum3A_434 : i1 to vector<16xi1>
      %reduce_sum3A_436 = tpu.scan <sum>, %add3A_433 masked %reduce_sum3A_435 : vector<16xf32>, vector<16xi1> -> vector<16xf32>
      %reduce_sum3A_437 = vector.extract %reduce_sum3A_436[15] : f32 from vector<16xf32>
      %broadcast_in_dim3A_438 = vector.broadcast %reduce_sum3A_437 : f32 to vector<16xf32>
      %select_n3A_439 = arith.select %eq3A_432, %broadcast_in_dim3A_438, %select_n3A_401 : vector<16xi1>, vector<16xf32>
      %mul3A_440 = arith.constant 16 : i32
      %mul3A_441 = arith.muli %scan3A_25, %mul3A_440 : i32
      %add3A_442 = arith.constant 11 : i32
      %add3A_443 = arith.addi %mul3A_441, %add3A_442 : i32
      %get3A_444 = arith.index_cast %add3A_443 : i32 to index
      %get3A_445 = arith.constant 0 : index
      %get3A_446 = tpu.vector_load %arg11[%get3A_444, %get3A_445] {strides = array<i32>} : memref<512x32xf32, #tpu.memory_space<vmem>>, vector<16xf32>,
      %get3A_447 = arith.index_cast %add3A_443 : i32 to index
      %get3A_448 = arith.constant 0 : index
      %get3A_449 = tpu.vector_load %arg13[%get3A_447, %get3A_448] {strides = array<i32>} : memref<512x32xf32, #tpu.memory_space<vmem>>, vector<16xf32>,
      %add3A_450 = arith.addf %get3A_446, %get3A_449 : vector<16xf32>
      %get3A_451 = arith.index_cast %add3A_443 : i32 to index
      %get3A_452 = arith.constant 0 : index
      %get3A_453 = tpu.vector_load %arg12[%get3A_451, %get3A_452] {strides = array<i32>} : memref<512x32xf32, #tpu.memory_space<vmem>>, vector<16xf32>,
      %sub3A_454 = arith.subf %add3A_450, %get3A_453 : vector<16xf32>
      %abs3A_455 = math.absf %sub3A_454 : vector<16xf32>
      %get3A_456 = arith.index_cast %add3A_443 : i32 to index
      %get3A_457 = arith.constant 16 : index
      %get3A_458 = tpu.vector_load %arg11[%get3A_456, %get3A_457] {strides = array<i32>} : memref<512x32xf32, #tpu.memory_space<vmem>>, vector<16xf32>,
      %get3A_459 = arith.index_cast %add3A_443 : i32 to index
      %get3A_460 = arith.constant 16 : index
      %get3A_461 = tpu.vector_load %arg13[%get3A_459, %get3A_460] {strides = array<i32>} : memref<512x32xf32, #tpu.memory_space<vmem>>, vector<16xf32>,
      %add3A_462 = arith.addf %get3A_458, %get3A_461 : vector<16xf32>
      %get3A_463 = arith.index_cast %add3A_443 : i32 to index
      %get3A_464 = arith.constant 16 : index
      %get3A_465 = tpu.vector_load %arg12[%get3A_463, %get3A_464] {strides = array<i32>} : memref<512x32xf32, #tpu.memory_space<vmem>>, vector<16xf32>,
      %sub3A_466 = arith.subf %add3A_462, %get3A_465 : vector<16xf32>
      %abs3A_467 = math.absf %sub3A_466 : vector<16xf32>
      %eq3A_468 = arith.constant 11 : i32
      %eq3A_469 = vector.broadcast %eq3A_468 : i32 to vector<16xi32>
      %eq3A_470 = arith.cmpi eq, %iota3A, %eq3A_469 : vector<16xi32>
      %add3A_471 = arith.addf %abs3A_455, %abs3A_467 : vector<16xf32>
      %reduce_sum3A_472 = arith.constant true
      %reduce_sum3A_473 = vector.broadcast %reduce_sum3A_472 : i1 to vector<16xi1>
      %reduce_sum3A_474 = tpu.scan <sum>, %add3A_471 masked %reduce_sum3A_473 : vector<16xf32>, vector<16xi1> -> vector<16xf32>
      %reduce_sum3A_475 = vector.extract %reduce_sum3A_474[15] : f32 from vector<16xf32>
      %broadcast_in_dim3A_476 = vector.broadcast %reduce_sum3A_475 : f32 to vector<16xf32>
      %select_n3A_477 = arith.select %eq3A_470, %broadcast_in_dim3A_476, %select_n3A_439 : vector<16xi1>, vector<16xf32>
      %mul3A_478 = arith.constant 16 : i32
      %mul3A_479 = arith.muli %scan3A_25, %mul3A_478 : i32
      %add3A_480 = arith.constant 12 : i32
      %add3A_481 = arith.addi %mul3A_479, %add3A_480 : i32
      %get3A_482 = arith.index_cast %add3A_481 : i32 to index
      %get3A_483 = arith.constant 0 : index
      %get3A_484 = tpu.vector_load %arg11[%get3A_482, %get3A_483] {strides = array<i32>} : memref<512x32xf32, #tpu.memory_space<vmem>>, vector<16xf32>,
      %get3A_485 = arith.index_cast %add3A_481 : i32 to index
      %get3A_486 = arith.constant 0 : index
      %get3A_487 = tpu.vector_load %arg13[%get3A_485, %get3A_486] {strides = array<i32>} : memref<512x32xf32, #tpu.memory_space<vmem>>, vector<16xf32>,
      %add3A_488 = arith.addf %get3A_484, %get3A_487 : vector<16xf32>
      %get3A_489 = arith.index_cast %add3A_481 : i32 to index
      %get3A_490 = arith.constant 0 : index
      %get3A_491 = tpu.vector_load %arg12[%get3A_489, %get3A_490] {strides = array<i32>} : memref<512x32xf32, #tpu.memory_space<vmem>>, vector<16xf32>,
      %sub3A_492 = arith.subf %add3A_488, %get3A_491 : vector<16xf32>
      %abs3A_493 = math.absf %sub3A_492 : vector<16xf32>
      %get3A_494 = arith.index_cast %add3A_481 : i32 to index
      %get3A_495 = arith.constant 16 : index
      %get3A_496 = tpu.vector_load %arg11[%get3A_494, %get3A_495] {strides = array<i32>} : memref<512x32xf32, #tpu.memory_space<vmem>>, vector<16xf32>,
      %get3A_497 = arith.index_cast %add3A_481 : i32 to index
      %get3A_498 = arith.constant 16 : index
      %get3A_499 = tpu.vector_load %arg13[%get3A_497, %get3A_498] {strides = array<i32>} : memref<512x32xf32, #tpu.memory_space<vmem>>, vector<16xf32>,
      %add3A_500 = arith.addf %get3A_496, %get3A_499 : vector<16xf32>
      %get3A_501 = arith.index_cast %add3A_481 : i32 to index
      %get3A_502 = arith.constant 16 : index
      %get3A_503 = tpu.vector_load %arg12[%get3A_501, %get3A_502] {strides = array<i32>} : memref<512x32xf32, #tpu.memory_space<vmem>>, vector<16xf32>,
      %sub3A_504 = arith.subf %add3A_500, %get3A_503 : vector<16xf32>
      %abs3A_505 = math.absf %sub3A_504 : vector<16xf32>
      %eq3A_506 = arith.constant 12 : i32
      %eq3A_507 = vector.broadcast %eq3A_506 : i32 to vector<16xi32>
      %eq3A_508 = arith.cmpi eq, %iota3A, %eq3A_507 : vector<16xi32>
      %add3A_509 = arith.addf %abs3A_493, %abs3A_505 : vector<16xf32>
      %reduce_sum3A_510 = arith.constant true
      %reduce_sum3A_511 = vector.broadcast %reduce_sum3A_510 : i1 to vector<16xi1>
      %reduce_sum3A_512 = tpu.scan <sum>, %add3A_509 masked %reduce_sum3A_511 : vector<16xf32>, vector<16xi1> -> vector<16xf32>
      %reduce_sum3A_513 = vector.extract %reduce_sum3A_512[15] : f32 from vector<16xf32>
      %broadcast_in_dim3A_514 = vector.broadcast %reduce_sum3A_513 : f32 to vector<16xf32>
      %select_n3A_515 = arith.select %eq3A_508, %broadcast_in_dim3A_514, %select_n3A_477 : vector<16xi1>, vector<16xf32>
      %mul3A_516 = arith.constant 16 : i32
      %mul3A_517 = arith.muli %scan3A_25, %mul3A_516 : i32
      %add3A_518 = arith.constant 13 : i32
      %add3A_519 = arith.addi %mul3A_517, %add3A_518 : i32
      %get3A_520 = arith.index_cast %add3A_519 : i32 to index
      %get3A_521 = arith.constant 0 : index
      %get3A_522 = tpu.vector_load %arg11[%get3A_520, %get3A_521] {strides = array<i32>} : memref<512x32xf32, #tpu.memory_space<vmem>>, vector<16xf32>,
      %get3A_523 = arith.index_cast %add3A_519 : i32 to index
      %get3A_524 = arith.constant 0 : index
      %get3A_525 = tpu.vector_load %arg13[%get3A_523, %get3A_524] {strides = array<i32>} : memref<512x32xf32, #tpu.memory_space<vmem>>, vector<16xf32>,
      %add3A_526 = arith.addf %get3A_522, %get3A_525 : vector<16xf32>
      %get3A_527 = arith.index_cast %add3A_519 : i32 to index
      %get3A_528 = arith.constant 0 : index
      %get3A_529 = tpu.vector_load %arg12[%get3A_527, %get3A_528] {strides = array<i32>} : memref<512x32xf32, #tpu.memory_space<vmem>>, vector<16xf32>,
      %sub3A_530 = arith.subf %add3A_526, %get3A_529 : vector<16xf32>
      %abs3A_531 = math.absf %sub3A_530 : vector<16xf32>
      %get3A_532 = arith.index_cast %add3A_519 : i32 to index
      %get3A_533 = arith.constant 16 : index
      %get3A_534 = tpu.vector_load %arg11[%get3A_532, %get3A_533] {strides = array<i32>} : memref<512x32xf32, #tpu.memory_space<vmem>>, vector<16xf32>,
      %get3A_535 = arith.index_cast %add3A_519 : i32 to index
      %get3A_536 = arith.constant 16 : index
      %get3A_537 = tpu.vector_load %arg13[%get3A_535, %get3A_536] {strides = array<i32>} : memref<512x32xf32, #tpu.memory_space<vmem>>, vector<16xf32>,
      %add3A_538 = arith.addf %get3A_534, %get3A_537 : vector<16xf32>
      %get3A_539 = arith.index_cast %add3A_519 : i32 to index
      %get3A_540 = arith.constant 16 : index
      %get3A_541 = tpu.vector_load %arg12[%get3A_539, %get3A_540] {strides = array<i32>} : memref<512x32xf32, #tpu.memory_space<vmem>>, vector<16xf32>,
      %sub3A_542 = arith.subf %add3A_538, %get3A_541 : vector<16xf32>
      %abs3A_543 = math.absf %sub3A_542 : vector<16xf32>
      %eq3A_544 = arith.constant 13 : i32
      %eq3A_545 = vector.broadcast %eq3A_544 : i32 to vector<16xi32>
      %eq3A_546 = arith.cmpi eq, %iota3A, %eq3A_545 : vector<16xi32>
      %add3A_547 = arith.addf %abs3A_531, %abs3A_543 : vector<16xf32>
      %reduce_sum3A_548 = arith.constant true
      %reduce_sum3A_549 = vector.broadcast %reduce_sum3A_548 : i1 to vector<16xi1>
      %reduce_sum3A_550 = tpu.scan <sum>, %add3A_547 masked %reduce_sum3A_549 : vector<16xf32>, vector<16xi1> -> vector<16xf32>
      %reduce_sum3A_551 = vector.extract %reduce_sum3A_550[15] : f32 from vector<16xf32>
      %broadcast_in_dim3A_552 = vector.broadcast %reduce_sum3A_551 : f32 to vector<16xf32>
      %select_n3A_553 = arith.select %eq3A_546, %broadcast_in_dim3A_552, %select_n3A_515 : vector<16xi1>, vector<16xf32>
      %mul3A_554 = arith.constant 16 : i32
      %mul3A_555 = arith.muli %scan3A_25, %mul3A_554 : i32
      %add3A_556 = arith.constant 14 : i32
      %add3A_557 = arith.addi %mul3A_555, %add3A_556 : i32
      %get3A_558 = arith.index_cast %add3A_557 : i32 to index
      %get3A_559 = arith.constant 0 : index
      %get3A_560 = tpu.vector_load %arg11[%get3A_558, %get3A_559] {strides = array<i32>} : memref<512x32xf32, #tpu.memory_space<vmem>>, vector<16xf32>,
      %get3A_561 = arith.index_cast %add3A_557 : i32 to index
      %get3A_562 = arith.constant 0 : index
      %get3A_563 = tpu.vector_load %arg13[%get3A_561, %get3A_562] {strides = array<i32>} : memref<512x32xf32, #tpu.memory_space<vmem>>, vector<16xf32>,
      %add3A_564 = arith.addf %get3A_560, %get3A_563 : vector<16xf32>
      %get3A_565 = arith.index_cast %add3A_557 : i32 to index
      %get3A_566 = arith.constant 0 : index
      %get3A_567 = tpu.vector_load %arg12[%get3A_565, %get3A_566] {strides = array<i32>} : memref<512x32xf32, #tpu.memory_space<vmem>>, vector<16xf32>,
      %sub3A_568 = arith.subf %add3A_564, %get3A_567 : vector<16xf32>
      %abs3A_569 = math.absf %sub3A_568 : vector<16xf32>
      %get3A_570 = arith.index_cast %add3A_557 : i32 to index
      %get3A_571 = arith.constant 16 : index
      %get3A_572 = tpu.vector_load %arg11[%get3A_570, %get3A_571] {strides = array<i32>} : memref<512x32xf32, #tpu.memory_space<vmem>>, vector<16xf32>,
      %get3A_573 = arith.index_cast %add3A_557 : i32 to index
      %get3A_574 = arith.constant 16 : index
      %get3A_575 = tpu.vector_load %arg13[%get3A_573, %get3A_574] {strides = array<i32>} : memref<512x32xf32, #tpu.memory_space<vmem>>, vector<16xf32>,
      %add3A_576 = arith.addf %get3A_572, %get3A_575 : vector<16xf32>
      %get3A_577 = arith.index_cast %add3A_557 : i32 to index
      %get3A_578 = arith.constant 16 : index
      %get3A_579 = tpu.vector_load %arg12[%get3A_577, %get3A_578] {strides = array<i32>} : memref<512x32xf32, #tpu.memory_space<vmem>>, vector<16xf32>,
      %sub3A_580 = arith.subf %add3A_576, %get3A_579 : vector<16xf32>
      %abs3A_581 = math.absf %sub3A_580 : vector<16xf32>
      %eq3A_582 = arith.constant 14 : i32
      %eq3A_583 = vector.broadcast %eq3A_582 : i32 to vector<16xi32>
      %eq3A_584 = arith.cmpi eq, %iota3A, %eq3A_583 : vector<16xi32>
      %add3A_585 = arith.addf %abs3A_569, %abs3A_581 : vector<16xf32>
      %reduce_sum3A_586 = arith.constant true
      %reduce_sum3A_587 = vector.broadcast %reduce_sum3A_586 : i1 to vector<16xi1>
      %reduce_sum3A_588 = tpu.scan <sum>, %add3A_585 masked %reduce_sum3A_587 : vector<16xf32>, vector<16xi1> -> vector<16xf32>
      %reduce_sum3A_589 = vector.extract %reduce_sum3A_588[15] : f32 from vector<16xf32>
      %broadcast_in_dim3A_590 = vector.broadcast %reduce_sum3A_589 : f32 to vector<16xf32>
      %select_n3A_591 = arith.select %eq3A_584, %broadcast_in_dim3A_590, %select_n3A_553 : vector<16xi1>, vector<16xf32>
      %mul3A_592 = arith.constant 16 : i32
      %mul3A_593 = arith.muli %scan3A_25, %mul3A_592 : i32
      %add3A_594 = arith.constant 15 : i32
      %add3A_595 = arith.addi %mul3A_593, %add3A_594 : i32
      %get3A_596 = arith.index_cast %add3A_595 : i32 to index
      %get3A_597 = arith.constant 0 : index
      %get3A_598 = tpu.vector_load %arg11[%get3A_596, %get3A_597] {strides = array<i32>} : memref<512x32xf32, #tpu.memory_space<vmem>>, vector<16xf32>,
      %get3A_599 = arith.index_cast %add3A_595 : i32 to index
      %get3A_600 = arith.constant 0 : index
      %get3A_601 = tpu.vector_load %arg13[%get3A_599, %get3A_600] {strides = array<i32>} : memref<512x32xf32, #tpu.memory_space<vmem>>, vector<16xf32>,
      %add3A_602 = arith.addf %get3A_598, %get3A_601 : vector<16xf32>
      %get3A_603 = arith.index_cast %add3A_595 : i32 to index
      %get3A_604 = arith.constant 0 : index
      %get3A_605 = tpu.vector_load %arg12[%get3A_603, %get3A_604] {strides = array<i32>} : memref<512x32xf32, #tpu.memory_space<vmem>>, vector<16xf32>,
      %sub3A_606 = arith.subf %add3A_602, %get3A_605 : vector<16xf32>
      %abs3A_607 = math.absf %sub3A_606 : vector<16xf32>
      %get3A_608 = arith.index_cast %add3A_595 : i32 to index
      %get3A_609 = arith.constant 16 : index
      %get3A_610 = tpu.vector_load %arg11[%get3A_608, %get3A_609] {strides = array<i32>} : memref<512x32xf32, #tpu.memory_space<vmem>>, vector<16xf32>,
      %get3A_611 = arith.index_cast %add3A_595 : i32 to index
      %get3A_612 = arith.constant 16 : index
      %get3A_613 = tpu.vector_load %arg13[%get3A_611, %get3A_612] {strides = array<i32>} : memref<512x32xf32, #tpu.memory_space<vmem>>, vector<16xf32>,
      %add3A_614 = arith.addf %get3A_610, %get3A_613 : vector<16xf32>
      %get3A_615 = arith.index_cast %add3A_595 : i32 to index
      %get3A_616 = arith.constant 16 : index
      %get3A_617 = tpu.vector_load %arg12[%get3A_615, %get3A_616] {strides = array<i32>} : memref<512x32xf32, #tpu.memory_space<vmem>>, vector<16xf32>,
      %sub3A_618 = arith.subf %add3A_614, %get3A_617 : vector<16xf32>
      %abs3A_619 = math.absf %sub3A_618 : vector<16xf32>
      %eq3A_620 = arith.constant 15 : i32
      %eq3A_621 = vector.broadcast %eq3A_620 : i32 to vector<16xi32>
      %eq3A_622 = arith.cmpi eq, %iota3A, %eq3A_621 : vector<16xi32>
      %add3A_623 = arith.addf %abs3A_607, %abs3A_619 : vector<16xf32>
      %reduce_sum3A_624 = arith.constant true
      %reduce_sum3A_625 = vector.broadcast %reduce_sum3A_624 : i1 to vector<16xi1>
      %reduce_sum3A_626 = tpu.scan <sum>, %add3A_623 masked %reduce_sum3A_625 : vector<16xf32>, vector<16xi1> -> vector<16xf32>
      %reduce_sum3A_627 = vector.extract %reduce_sum3A_626[15] : f32 from vector<16xf32>
      %broadcast_in_dim3A_628 = vector.broadcast %reduce_sum3A_627 : f32 to vector<16xf32>
      %select_n3A_629 = arith.select %eq3A_622, %broadcast_in_dim3A_628, %select_n3A_591 : vector<16xi1>, vector<16xf32>
      %mul3A_630 = arith.constant 16 : i32
      %mul3A_631 = arith.muli %scan3A_25, %mul3A_630 : i32
      %swap3A = arith.index_cast %mul3A_631 : i32 to index
      %swap3A_632 = tpu.vector_load %arg14[%swap3A] {strides = array<i32>} : memref<512xf32, #tpu.memory_space<vmem>>, vector<16xf32>,
      tpu.vector_store %arg14[%swap3A], %select_n3A_629 {strides = array<i32>} : memref<512xf32, #tpu.memory_space<vmem>>, vector<16xf32>,
      %scan3A_633 = arith.constant 0 : i32
      scf.yield %scan3A_633 : i32
    }
    %scan3A_24 = arith.constant 32 : i32
    "tpu.region"() ({
      %run_scoped3A = tpu.sem_alloc : memref<!tpu.dma_semaphore, #tpu.memory_space<semaphore_mem>>
      %dma_start3A_25 = tpu.memref_slice %arg7[%mul3A_2] : memref<16384xf32, #tpu.memory_space<hbm>> -> memref<512xf32, #tpu.memory_space<hbm>>
      %dma_start3A_26 = tpu.memref_slice %arg7[%mul3A_2] : memref<16384xf32, #tpu.memory_space<hbm>> -> memref<512xf32, #tpu.memory_space<hbm>>
      tpu.enqueue_dma source(%arg14 : memref<512xf32, #tpu.memory_space<vmem>>) target(%dma_start3A_26 : memref<512xf32, #tpu.memory_space<hbm>>) target_semaphore(%run_scoped3A : memref<!tpu.dma_semaphore, #tpu.memory_space<semaphore_mem>>)
      %dma_wait3A_27 = tpu.memref_slice %arg7[%mul3A_2] : memref<16384xf32, #tpu.memory_space<hbm>> -> memref<512xf32, #tpu.memory_space<hbm>>
      %dma_wait3A_28 = tpu.memref_slice %arg7[%mul3A_2] : memref<16384xf32, #tpu.memory_space<hbm>> -> memref<512xf32, #tpu.memory_space<hbm>>
      tpu.wait_dma2 semaphore(%run_scoped3A : memref<!tpu.dma_semaphore, #tpu.memory_space<semaphore_mem>>) src(%arg14 : memref<512xf32, #tpu.memory_space<vmem>>) dst(%dma_wait3A_28 : memref<512xf32, #tpu.memory_space<hbm>>)
      tpu.yield
    }) : () -> ()
    return
  }
}

</mosaic_0001>

<sc_bundles>
// kernel: kernel.3.cloned.1.call-start
scs
__scs_entry_jumppad:
0x0: {  	(pc) =	sbr.rel $0x88, $3  }
0x1: {  	(tag) =	ssettag $0x0;
	lr =	simm.s32 $0x1  }
0x2: {  	[smem:$0x3F9C] =	sst lr;
	_ =	strace $0xD0000000  }
0x3: {  	_ = 	snop  }
0x4: {  	_ = 	snop  }
0x5: {  	_ = 	snop  }
0x6: {  	_ = 	snop  }
0x7: {  	_ = 	snop  }
__scs_overlays_trampoline_lowered:
0x8: {  	[smem:$0x3FAB] =	sst s0  }
0x9: {  	[smem:$0x3FAC] =	sst s1  }
0xa: {  	[smem:$0x3FAD] =	sst s2  }
0xb: {  	[smem:$0x3FAE] =	sst s3  }
0xc: {  	[smem:$0x3FAF] =	sst s4  }
0xd: {  	[smem:$0x3FB0] =	sst s5  }
0xe: {  	[smem:$0x3FB1] =	sst s6  }
0xf: {  	[smem:$0x3FB2] =	sst s7  }
0x10: {  	[smem:$0x3FB3] =	sst s8  }
0x11: {  	[smem:$0x3FB4] =	sst s9;
	s0 =	simm.s32 @!p0 $0x0  }
0x12: {  	s1 =	sld [smem:$0x3F9A];
	s0 =	simm.s32 @p0 $0x1  }
0x13: {  	[smem:$0x3FB5] =	sst s0;
	s0 =	simm.s32 @!p1 $0x0  }
0x14: {  	s2 =	sld [smem:$0x3F99];
	s0 =	simm.s32 @p1 $0x1  }
0x15: {  	[smem:$0x3FB6] =	sst s0;
	s0 =	simm.s32 @!p2 $0x0  }
0x16: {  	s3 =	sld [smem:$0x3FDB];
	s0 =	simm.s32 @p2 $0x1  }
0x17: {  	s4 =	simm.s32 $0x1BF5;
	[smem:$0x3FB8] =	sst s0  }
0x18: {  	s0 =	sld [smem:$0x3F9B];
	_ =	swait.ge [sflag:s4], $0x0  }
0x19: {  	s7 =	sld [smem:$0x3F9C]  }
0x1a: {  	s8 =	sadd.s32 $0xFFFFE003, lr  }
0x1b: {  	s9 =	sadd.s32 $0xFFFFFEF7, lr;
	s5 =	simm.s32 $0xFFFFFFFF;
	p2 =	slt.u32 s8, $0xFFFFF086  }
0x1c: {  	p1 =	slt.u32 s9, $0xF7A;
	s5 =	simm.s32 @!p2 $0x0  }
0x1d: {  	s5 =	simm.s32 @p1 $0x1;
	p0 =	seq.s32 s7, s2  }
0x1e: {  	s7 =	smul.u32 @!p0 $0xF7A, s2;
	p2 =	seq.s32 @!p0 s5, $0x0  }
0x1f: {  	s9 =	smul.u32 $0xF7A, s1;
	s8 =	simm.s32 @!p0 $0x1BF5;
	p2 =	por !p2, p0  }
0x20: {  	[sflag:s8] =	ssyncset.s32 @!p0 $0xFFFFF086;
	s6 =	sadd.s32 @!p0 s3, s7;
	s7 =	simm.s32 @!p0 $0x108  }
0x21: {  	s3 =	sadd.s32 s3, s9;
	s6 =	sadd.s32 @!p0 $0x88, s6;
	s7 =	simm.s32 @p2 $0x1082  }
0x22: {  	[simem:s7], [sflag:s8] =	dma.local @!p0 [hbm:s6], $0xF7A  }
0x23: {  	s9 =	sor.u32 $0xD0000000, s2;
	s6 =	simm.s32 $0x108;
	_ =	swait.ge @!p0 [sflag:s8], $0x0  }
0x24: {  	s3 =	sadd.s32 $0x88, s3;
	s6 =	simm.s32 @!p1 $0x1082;
	[sflag:s4] =	ssyncset.s32 $0xFFFFF086  }
0x25: {  	[simem:s6], [sflag:s4] =	dma.local [hbm:s3], $0xF7A  }
0x26: {  	[smem:$0x3F9C] =	sst s1;
	(tag) =	ssettag s2;
	_ =	strace s9  }
0x27: {  	s1 =	sld [smem:$0x3FAC]  }
0x28: {  	s2 =	sld [smem:$0x3FAD]  }
0x29: {  	s4 =	sld [smem:$0x3FAF]  }
0x2a: {  	p0 =	seq.s32 s5, $0x0;
	s5 =	sld [smem:$0x3FB0]  }
0x2b: {  	s6 =	sld [smem:$0x3FB1]  }
0x2c: {  	s7 =	sld [smem:$0x3FB2]  }
0x2d: {  	s3 =	simm.s32 $0x108;
	s8 =	sld [smem:$0x3FB3]  }
0x2e: {  	s3 =	simm.s32 @!p0 $0x1082;
	s9 =	sld [smem:$0x3FB4]  }
0x2f: {  	lr =	sadd.s32 s0, s3;
	s0 =	sld [smem:$0x3FAB]  }
0x30: {  	s3 =	sld [smem:$0x3FAE]  }
0x31: {  	[smem:$0x3FB7] =	sst s10  }
0x32: {  	s10 =	sld [smem:$0x3FB5];
	_ =	sdelay $0x3  }
0x33: {  	p0 =	seq.s32 s10, $0x1;
	s10 =	sld [smem:$0x3FB7];
	_ =	sdelay $0x3  }
0x34: {  	[smem:$0x3FB7] =	sst s10  }
0x35: {  	s10 =	sld [smem:$0x3FB6];
	_ =	sdelay $0x3  }
0x36: {  	p1 =	seq.s32 s10, $0x1;
	s10 =	sld [smem:$0x3FB7];
	_ =	sdelay $0x3  }
0x37: {  	[smem:$0x3FB7] =	sst s10  }
0x38: {  	s10 =	sld [smem:$0x3FB8]  }
0x39: {  	_ = 	snop;
	(pc) =	sbr.ind lr, $3  }
0x3a: {  	_ = 	snop  }
0x3b: {  	_ = 	snop  }
0x3c: {  	p2 =	seq.s32 s10, $0x1;
	s10 =	sld [smem:$0x3FB7]  }
0x3d: {  	_ =	shalt  }
0x3e: {  	_ =	shalt  }
0x3f: {  	_ =	shalt  }
0x40: {  	_ =	shalt  }
0x41: {  	_ =	shalt  }
0x42: {  	_ =	shalt  }
0x43: {  	_ =	shalt  }
0x44: {  	_ =	shalt  }
0x45: {  	_ =	shalt  }
0x46: {  	_ =	shalt  }
0x47: {  	_ =	shalt  }
0x48: {  	_ =	shalt  }
0x49: {  	_ =	shalt  }
0x4a: {  	_ =	shalt  }
0x4b: {  	_ =	shalt  }
0x4c: {  	_ =	shalt  }
0x4d: {  	_ =	shalt  }
0x4e: {  	_ =	shalt  }
0x4f: {  	_ =	shalt  }
0x50: {  	_ =	shalt  }
0x51: {  	_ =	shalt  }
0x52: {  	_ =	shalt  }
0x53: {  	_ =	shalt  }
0x54: {  	_ =	shalt  }
0x55: {  	_ =	shalt  }
0x56: {  	_ =	shalt  }
0x57: {  	_ =	shalt  }
0x58: {  	_ =	shalt  }
0x59: {  	_ =	shalt  }
0x5a: {  	_ =	shalt  }
0x5b: {  	_ =	shalt  }
0x5c: {  	_ =	shalt  }
0x5d: {  	_ =	shalt  }
0x5e: {  	_ =	shalt  }
0x5f: {  	_ =	shalt  }
0x60: {  	_ =	shalt  }
0x61: {  	_ =	shalt  }
0x62: {  	_ =	shalt  }
0x63: {  	_ =	shalt  }
0x64: {  	_ =	shalt  }
0x65: {  	_ =	shalt  }
0x66: {  	_ =	shalt  }
0x67: {  	_ =	shalt  }
0x68: {  	_ =	shalt  }
0x69: {  	_ =	shalt  }
0x6a: {  	_ =	shalt  }
0x6b: {  	_ =	shalt  }
0x6c: {  	_ =	shalt  }
0x6d: {  	_ =	shalt  }
0x6e: {  	_ =	shalt  }
0x6f: {  	_ =	shalt  }
0x70: {  	_ =	shalt  }
0x71: {  	_ =	shalt  }
0x72: {  	_ =	shalt  }
0x73: {  	_ =	shalt  }
0x74: {  	_ =	shalt  }
0x75: {  	_ =	shalt  }
0x76: {  	_ =	shalt  }
0x77: {  	_ =	shalt  }
0x78: {  	_ =	shalt  }
0x79: {  	_ =	shalt  }
0x7a: {  	_ =	shalt  }
0x7b: {  	_ =	shalt  }
0x7c: {  	_ =	shalt  }
0x7d: {  	_ =	shalt  }
0x7e: {  	_ =	shalt  }
0x7f: {  	_ =	shalt  }
0x80: {  	_ =	shalt  }
0x81: {  	_ =	shalt  }
0x82: {  	_ =	shalt  }
0x83: {  	_ =	shalt  }
0x84: {  	_ =	shalt  }
0x85: {  	_ =	shalt  }
0x86: {  	_ =	shalt  }
0x87: {  	_ =	shalt  }
.Lfunc_end0:
.L_simem_size_0:
called_computation_lowered:
.L_overlay_start_0:
0x88: {  	s2 =	sld [smem:$0x3FD9]  }
0x89: {  	s3 =	sld [smem:$0x3FFE];
	_ =	sdelay $0x1  }
0x8a: {  	s1 =	srdreg.scid  }
0x8b: {  	s0 =	sand.u32 $0x1, s1  }
0x8c: {  	s17 =	sshll.u32 s0, $0xA;
	s2 =	sadd.s32 s3, s2  }
0x8d: {  	s2 =	sadd.s32 s2, s17  }
0x8e: {  	[smem:$0x3FC3] =	sst s2  }
0x8f: {  	_ = 	snop  }
0x90: {  	s2 =	sld [smem:$0x3FC9]  }
0x91: {  	s18 =	sld [smem:$0x3FC8]  }
0x92: {  	s4 =	sld [smem:$0x3FC7]  }
0x93: {  	s5 =	sld [smem:$0x3FD0];
	(tm) =	ssettm $0x1  }
0x94: {  	s6 =	sld [smem:$0x3FFB];
	_ =	sdelay $0x3  }
0x95: {  	_ =	strace s6  }
0x96: {  	s6 =	sld [smem:$0x3FFC];
	_ =	sdelay $0x3  }
0x97: {  	_ =	strace s6  }
0x98: {  	s6 =	sld [smem:$0x3FFD];
	_ =	sdelay $0x3  }
0x99: {  	_ =	strace s6  }
0x9a: {  	_ =	strace $0x8FFFFFFF  }
0x9b: {  	s19 =	sld [smem:$0x3FDB];
	_ =	sdelay $0x1  }
0x9c: {  	s7 =	simm.s32 $_scs_section_size  }
0x9d: {  	s8 =	simm.s32 $_size__tile_overlayer_lowered;
	s9 =	simm.s32 $_tile_overlayer_lowered  }
0x9e: {  	s22 =	simm.s32 $0x1BFF;
	s21 =	sshll.u32 s9, $0x1;
	s6 =	sadd.s32 s7, s19  }
0x9f: {  	s10 =	simm.s32 $0x0;
	s20 =	sshll.u32 s8, $0x1;
	s8 =	sadd.s32 s21, s6  }
0xa0: {  	[timem:s10], [sflag:s22] =	dma.local [hbm:s8], s20  }
0xa1: {  	_ =	swait.ge [sflag:s22], s20  }
0xa2: {  	s7 =	ssub.s32 $0x0, s20;
	[sflag:s22] =	ssyncset.done $0x0  }
0xa3: {  	[sflag:s22] =	ssyncadd.s32 s7;
	_ =	sdelay $0x1  }
0xa4: {  	s23 =	simm.s32 $0x1B8B  }
0xa5: {  	_ =	swait.ge [sflag:s23], $0x1  }
0xa6: {  	[sflag:s23] =	ssyncset.done $0x0  }
0xa7: {  	s25 =	simm.s32 $0x1B8E;
	s24 =	sld [smem:$0x3FFE];
	[sflag:s23] =	ssyncadd.s32 $0xFFFFFFFF  }
0xa8: {  	s26 =	simm.s32 $execute0_lowered;
	[smem:$0x3FD2] =	sst s25  }
0xa9: {  	s8 =	sshll.u32 s26, $0x1;
	_ =	strace $0x80000046;
	[dreg:$0x1] =	wrdreg $0xFFFFFFFF  }
0xaa: {  	s28 =	simm.s32 $_size_execute0_lowered;
	s6 =	sadd.s32 s6, s8;
	[dreg:$0x0] =	wrdreg $0x0  }
0xab: {  	s8 =	sshll.u32 s28, $0x1;
	[dreg:$0x2] =	wrdreg s6  }
0xac: {  	[dreg:$0x3] =	wrdreg s8  }
0xad: {  	[dreg:$0x4] =	wrdreg $0xC0  }
0xae: {  	_ =	task [dreg:s10], $0x5FFFF  }
0xaf: {  	[dreg:$0x1] =	wrdreg $0xFFFFFFFF  }
0xb0: {  	[dreg:$0x0] =	wrdreg $0x60  }
0xb1: {  	[dreg:$0x2] =	wrdreg s2  }
0xb2: {  	[dreg:$0x3] =	wrdreg s18  }
0xb3: {  	[dreg:$0x4] =	wrdreg s4  }
0xb4: {  	[dreg:$0x5] =	wrdreg s24  }
0xb5: {  	[dreg:$0x6] =	wrdreg s5  }
0xb6: {  	[dreg:$0x7] =	wrdreg $0x9  }
0xb7: {  	_ =	task.clear_ibuf [dreg:s10], $0x8FFFF;
	_ =	strace $0x90000046  }
0xb8: {  	s29 =	simm.s32 $0x9;
	_ =	strace $0x80000048  }
0xb9: {  	_ =	swait.ge [sflag:s29], $0x1  }
0xba: {  	[sflag:s29] =	ssyncadd.s32 $0xFFFFFFFF  }
0xbb: {  	_ =	strace $0x90000048  }
0xbc: {  	_ =	sfence  }
0xbd: {  	s30 =	sld [smem:$0x0];
	_ =	sdelay $0x2  }
0xbe: {  	s31 =	sshll.u32 s1, $0xD;
	s1 =	sshrl.u32 s1, $0x2  }
0xbf: {  	s3 =	sand.u32 $0x4000, s31;
	s1 =	sadd.s32 s1, s30  }
0xc0: {  	s0 =	sor.u32 s3, s0;
	s1 =	sshll.u32 s1, $0x11  }
0xc1: {  	s0 =	sor.u32 s1, s0  }
0xc2: {  	s0 =	sadd.s32 $0x8F2B, s0  }
0xc3: {  	[sflag:s0] =	ssyncadd.remote.s32 $0x1  }
0xc4: {  	_ =	sfence.sel $0xFFFF  }
0xc5: {  	[dreg:$0x0] =	wrdreg $0xFFFFFFFF;
	(pc) =	sbr.abs _section_cstart, $3  }
0xc6: {  	[dreg:$0x1] =	wrdreg $0xFFFFFFFF  }
0xc7: {  	_ =	task.clear_ibuf [dreg:s10], $0x2FFFF;
	_ =	strace $0x9FFFFFFF  }
0xc8: {  	(tm) =	ssettm $0x7FFFFFFF  }
0xc9: {  	_ =	shalt  }
tec
execute0_lowered:
.L_overlay_start_1:
0x0: {  	(tag) =	ssettag $0x1  }
0x1: {  	s5 =	rddreg [dreg:$0x0]  }
0x2: {  	s7 =	rddreg [dreg:$0x1]  }
0x3: {  	s6 =	rddreg [dreg:$0x2]  }
0x4: {  	s4 =	rddreg [dreg:$0x3]  }
0x5: {  	s8 =	rddreg [dreg:$0x4]  }
0x6: {  	s0 =	rddreg [dreg:$0x5];
	s1 =	simm.s32 $0x0  }
0x7: {  	s9 =	srdreg.scid;
	s2 =	stileid.u32;
	s13 =	simm.s32 $0x600  }
0x8: {  	s14 =	simm.s32 $0x4600;
	s15 =	simm.s32 $0x8600;
	s16 =	simm.s32 $0x1  }
0x9: {  	s17 =	simm.s32 $0xC600;
	s18 =	simm.s32 $0x0;
	[smem:$0x7FF] =	sst s1  }
0xa: {  	s3 =	sadd.s32 $0xF42A00, s4;
	s9 =	sand.u32 $0x1, s9;
	s11 =	sshll.u32 s2, $0x7  }
0xb: {  	vm0 =	vmmov $0x1;
	vm1 =	vmmov $0x3;
	vm2 =	vmmov $0x7;
	s4 =	sadd.s32 $0x600, s4;
	s10 =	ssub.s32 $0x2, s9;
	s9 =	sshll.u32 s9, $0x6  }
0xc: {  	vm3 =	vmmov $0xf;
	vm4 =	vmmov $0x1f;
	vm5 =	vmmov $0x3f;
	_ =	strace $0x80000047;
	s12 =	sshrl.u32 s10, $0x1;
	s9 =	sor.u32 s9, s11  }
0xd: {  	vm6 =	vmmov $0x7f;
	vm7 =	vmmov $0xff;
	vm8 =	vmmov $0x1ff;
	s11 =	simm.s32 $0x200;
	s10 =	ssub.s32 s10, s12;
	s5 =	sadd.s32 s5, s9  }
0xe: {  	vm9 =	vmmov $0x3ff;
	vm10 =	vmmov $0x7ff;
	vm11 =	vmmov $0xfff;
	s6 =	sadd.s32 s6, s9;
	s7 =	sadd.s32 s7, s9;
	s8 =	sadd.s32 s8, s9  }
0xf: {  	vm12 =	vmmov $0x1fff;
	vm13 =	vmmov $0x3fff;
	vm14 =	vmmov $0x7fff;
	s12 =	simm.s32 $0x400;
	s9 =	smax.u32 s10, $0x1;
	s10 =	simm.s32 $0x2  }
.LBB2_1:
0x10: {  	[tilespmem:s1], [sflag:$0x2] =	stream.linear.gather [hbm4b:s5+s1], $0x200, $0x38;
	[tilespmem:$0xC800] =	vst v63  }
0x11: {  	_ =	swait.ge [sflag:s10], $0x200  }
0x12: {  	[sflag:s10] =	ssyncset.done $0x0  }
0x13: {  	[sflag:s10] =	ssyncadd.s32 $0xFFFFFE00  }
0x14: {  	[tilespmem:s11], [sflag:$0x2] =	stream.linear.gather [hbm4b:s6+s1], $0x200, $0x38;
	[tilespmem:$0xC800] =	vst v63  }
0x15: {  	_ =	swait.ge [sflag:s10], $0x200  }
0x16: {  	[sflag:s10] =	ssyncset.done $0x0  }
0x17: {  	[sflag:s10] =	ssyncadd.s32 $0xFFFFFE00  }
0x18: {  	[tilespmem:s12], [sflag:$0x2] =	stream.linear.gather [hbm4b:s7+s1], $0x200, $0x38;
	[tilespmem:$0xC800] =	vst v63  }
0x19: {  	_ =	swait.ge [sflag:s10], $0x200  }
0x1a: {  	[sflag:s10] =	ssyncset.done $0x0  }
0x1b: {  	[sflag:s10] =	ssyncadd.s32 $0xFFFFFE00  }
0x1c: {  	[tilespmem:s13], [sflag:$0x1] =	stream.indirect.gather [hbm4b:s3+s11], $0x20, s1, s11, $0xb8;
	[tilespmem:$0xC800] =	vst v63  }
0x1d: {  	_ = 	snop  }
0x1e: {  	[tilespmem:s14], [sflag:$0x1] =	stream.indirect.gather [hbm4b:s3+s11], $0x20, s11, s11, $0xb8;
	[tilespmem:$0xC800] =	vst v63  }
0x1f: {  	_ = 	snop  }
0x20: {  	[tilespmem:s15], [sflag:$0x1] =	stream.indirect.gather [hbm4b:s4+s11], $0x20, s12, s11, $0xb8;
	[tilespmem:$0xC800] =	vst v63  }
0x21: {  	_ =	swait.ge [sflag:s16], $0x4000  }
0x22: {  	[sflag:s16] =	ssyncset.done $0x0  }
0x23: {  	[sflag:s16] =	ssyncadd.s32 $0xFFFFC000  }
0x24: {  	_ =	swait.ge [sflag:s16], $0x4000  }
0x25: {  	[sflag:s16] =	ssyncset.done $0x0  }
0x26: {  	[sflag:s16] =	ssyncadd.s32 $0xFFFFC000  }
0x27: {  	_ =	swait.ge [sflag:s16], $0x4000  }
0x28: {  	[sflag:s16] =	ssyncset.done $0x0  }
0x29: {  	s19 =	simm.s32 $0x0;
	[sflag:s16] =	ssyncadd.s32 $0xFFFFC000  }
0x2a: {  	v0 =	vld [tilespmem:s19+$0x7E0]  }
0x2b: {  	v9 =	vld [tilespmem:s19+$0x47C0]  }
0x2c: {  	v10 =	vld [tilespmem:s19+$0x47D0]  }
0x2d: {  	v11 =	vld [tilespmem:s19+$0x7C0]  }
0x2e: {  	v12 =	vld [tilespmem:s19+$0x87C0]  }
0x2f: {  	v13 =	vld [tilespmem:s19+$0x7D0]  }
0x30: {  	v14 =	vld [tilespmem:s19+$0x87D0]  }
0x31: {  	v15 =	vld [tilespmem:s19+$0x4780]  }
0x32: {  	v16 =	vld [tilespmem:s19+$0x4790]  }
0x33: {  	v3 =	vld [tilespmem:s19+$0x7A0]  }
0x34: {  	v4 =	vld [tilespmem:s19+$0x87A0]  }
0x35: {  	v2 =	vld [tilespmem:s19+$0x7B0]  }
0x36: {  	v17 =	vld [tilespmem:s19+$0x4760]  }
0x37: {  	v18 =	vld [tilespmem:s19+$0x4770]  }
0x38: {  	v19 =	vld [tilespmem:s19+$0x780]  }
0x39: {  	v20 =	vld [tilespmem:s19+$0x8780]  }
0x3a: {  	v21 =	vld [tilespmem:s19+$0x790]  }
0x3b: {  	v22 =	vld [tilespmem:s19+$0x8790]  }
0x3c: {  	v23 =	vld [tilespmem:s19+$0x760]  }
0x3d: {  	v24 =	vld [tilespmem:s19+$0x8760]  }
0x3e: {  	v25 =	vld [tilespmem:s19+$0x770]  }
0x3f: {  	v26 =	vld [tilespmem:s19+$0x8770]  }
0x40: {  	v27 =	vld [tilespmem:s19+$0x4720]  }
0x41: {  	v28 =	vld [tilespmem:s19+$0x4730]  }
0x42: {  	v6 =	vld [tilespmem:s19+$0x740]  }
0x43: {  	v7 =	vld [tilespmem:s19+$0x8740]  }
0x44: {  	v5 =	vld [tilespmem:s19+$0x750]  }
0x45: {  	v29 =	vld [tilespmem:s19+$0x4700]  }
0x46: {  	v30 =	vld [tilespmem:s19+$0x4710]  }
0x47: {  	v31 =	vld [tilespmem:s19+$0x720]  }
0x48: {  	v32 =	vld [tilespmem:s19+$0x8720]  }
0x49: {  	v33 =	vld [tilespmem:s19+$0x730]  }
0x4a: {  	v34 =	vld [tilespmem:s19+$0x8730]  }
0x4b: {  	v35 =	vld [tilespmem:s19+$0x700]  }
0x4c: {  	v36 =	vld [tilespmem:s19+$0x8700]  }
0x4d: {  	v37 =	vld [tilespmem:s19+$0x710]  }
0x4e: {  	v38 =	vld [tilespmem:s19+$0x8710]  }
0x4f: {  	v39 =	vld [tilespmem:s19+$0x46C0]  }
0x50: {  	v40 =	vld [tilespmem:s19+$0x46D0]  }
0x51: {  	v41 =	vld [tilespmem:s19+$0x6E0]  }
0x52: {  	v42 =	vld [tilespmem:s19+$0x86E0]  }
0x53: {  	v8 =	vld [tilespmem:s19+$0x6F0]  }
0x54: {  	v43 =	vld [tilespmem:s19+$0x46A0]  }
0x55: {  	v44 =	vld [tilespmem:s19+$0x46B0]  }
0x56: {  	v45 =	vld [tilespmem:s19+$0x6C0]  }
0x57: {  	v46 =	vld [tilespmem:s19+$0x86C0]  }
0x58: {  	v47 =	vld [tilespmem:s19+$0x6D0]  }
0x59: {  	v48 =	vld [tilespmem:s19+$0x86D0]  }
0x5a: {  	v49 =	vld [tilespmem:s19+$0x6A0]  }
0x5b: {  	v51 =	vld [tilespmem:s19+$0x6B0]  }
0x5c: {  	v52 =	vld [tilespmem:s19+$0x86B0]  }
0x5d: {  	v50 =	vld [tilespmem:s19+$0x86A0]  }
0x5e: {  	v53 =	vld [tilespmem:s19+$0x4660]  }
0x5f: {  	v54 =	vld [tilespmem:s19+$0x4670]  }
0x60: {  	v55 =	vld [tilespmem:s19+$0x8620];
	v11 =	vadd.f32 v12, v11  }
0x61: {  	v56 =	vld [tilespmem:s19+$0x8630];
	v13 =	vadd.f32 v14, v13;
	v51 =	vadd.f32 v52, v51  }
0x62: {  	v12 =	vld [tilespmem:s19+$0x680];
	v9 =	vsub.f32 v11, v9;
	v11 =	vadd.f32 v20, v19  }
0x63: {  	v14 =	vld [tilespmem:s19+$0x8680];
	v10 =	vsub.f32 v13, v10;
	v13 =	vadd.f32 v22, v21  }
0x64: {  	v52 =	vld [tilespmem:s19+$0x8600];
	v11 =	vsub.f32 v11, v15;
	v15 =	vadd.f32 v24, v23  }
0x65: {  	v19 =	vld [tilespmem:s19+$0x690];
	v9 =	vand.u32 $0x7FFFFFFF, v9;
	v13 =	vsub.f32 v13, v16;
	v16 =	vadd.f32 v26, v25  }
0x66: {  	v22 =	vld [tilespmem:s19+$0x660];
	v10 =	vand.u32 $0x7FFFFFFF, v10;
	v24 =	vadd.f32 v36, v35;
	v26 =	vadd.f32 v38, v37  }
0x67: {  	v23 =	vld [tilespmem:s19+$0x8670];
	v9 =	vadd.f32 v10, v9;
	v10 =	vand.u32 $0x7FFFFFFF, v11;
	v11 =	vsub.f32 v15, v17  }
0x68: {  	v15 =	vld [tilespmem:s19+$0x8660];
	v16 =	vsub.f32 v16, v18;
	v17 =	vadd.f32 v32, v31  }
0x69: {  	v13 =	vand.u32 $0x7FFFFFFF, v13;
	v18 =	vld [tilespmem:s19+$0x670];
	v24 =	vsub.f32 v24, v29;
	v26 =	vsub.f32 v26, v30  }
0x6a: {  	v30 =	vld [tilespmem:s19+$0x650];
	v31 =	vadd.f32 v50, v49;
	v10 =	vadd.f32 v13, v10  }
0x6b: {  	v50 =	vld [tilespmem:s19+$0x8650];
	v13 =	vadd.f32 v34, v33;
	v33 =	vsub.f32 v51, v44;
	v11 =	vand.u32 $0x7FFFFFFF, v11  }
0x6c: {  	v20 =	vld [tilespmem:s19+$0x4640];
	v17 =	vsub.f32 v17, v27;
	v16 =	vand.u32 $0x7FFFFFFF, v16;
	v24 =	vand.u32 $0x7FFFFFFF, v24  }
0x6d: {  	v21 =	vld [tilespmem:s19+$0x4650];
	v26 =	vand.u32 $0x7FFFFFFF, v26;
	v13 =	vsub.f32 v13, v28;
	v11 =	vadd.f32 v16, v11  }
0x6e: {  	v29 =	vld [tilespmem:s19+$0x8640];
	v24 =	vadd.f32 v26, v24;
	v26 =	vsub.f32 v31, v43;
	v33 =	vand.u32 $0x7FFFFFFF, v33  }
0x6f: {  	v28 =	vld [tilespmem:s19+$0x640];
	v16 =	vand.u32 $0x7FFFFFFF, v17;
	v17 =	vadd.f32 v46, v45;
	v15 =	vadd.f32 v15, v22  }
0x70: {  	v31 =	vld [tilespmem:s19+$0x600];
	v13 =	vand.u32 $0x7FFFFFFF, v13;
	v18 =	vadd.f32 v23, v18;
	v30 =	vadd.f32 v50, v30  }
0x71: {  	v22 =	vld [tilespmem:s19+$0x610];
	v26 =	vand.u32 $0x7FFFFFFF, v26;
	v13 =	vadd.f32 v13, v16;
	v16 =	vadd.f32 v48, v47  }
0x72: {  	v23 =	vld [tilespmem:s19+$0x8610];
	v17 =	vsub.f32 v17, v39;
	v26 =	vadd.f32 v33, v26  }
0x73: {  	v25 =	vld [tilespmem:s19+$0x4600];
	v15 =	vsub.f32 v15, v53;
	v16 =	vsub.f32 v16, v40  }
0x74: {  	v27 =	vld [tilespmem:s19+$0x4610];
	v18 =	vsub.f32 v18, v54;
	v21 =	vsub.f32 v30, v21  }
0x75: {  	v17 =	vand.u32 $0x7FFFFFFF, v17;
	v28 =	vadd.f32 v29, v28;
	v29 =	vld [tilespmem:s19+$0x630];
	v16 =	vand.u32 $0x7FFFFFFF, v16  }
0x76: {  	v31 =	vadd.f32 v52, v31;
	v16 =	vadd.f32 v16, v17;
	v17 =	vld [tilespmem:s19+$0x620]  }
0x77: {  	v20 =	vsub.f32 v28, v20;
	v22 =	vadd.f32 v23, v22;
	v23 =	vld [tilespmem:s19+$0x4620]  }
0x78: {  	(xrf2) =	vadd.scan.msk.f32 $0xffff, v9;
	v9 =	vand.u32 $0x7FFFFFFF, v15;
	v15 =	vand.u32 $0x7FFFFFFF, v18;
	v18 =	vsub.f32 v31, v25;
	v25 =	vld [tilespmem:s19+$0x4630]  }
0x79: {  	(xrf2) =	vadd.scan.msk.f32 $0xffff, v10;
	v21 =	vand.u32 $0x7FFFFFFF, v21;
	v10 =	vsub.f32 v22, v27;
	v20 =	vand.u32 $0x7FFFFFFF, v20;
	v22 =	vld [tilespmem:s19+$0x8690]  }
0x7a: {  	(xrf2) =	vadd.scan.msk.f32 $0xffff, v11;
	v9 =	vadd.f32 v15, v9;
	v11 =	vand.u32 $0x7FFFFFFF, v18;
	v18 =	vld [tilespmem:s19+$0x4680];
	v15 =	vadd.f32 v21, v20  }
0x7b: {  	(xrf2) =	vadd.scan.msk.f32 $0xffff, v13;
	v20 =	vld [tilespmem:s19+$0x4690];
	v10 =	vand.u32 $0x7FFFFFFF, v10;
	v13 =	vadd.f32 v55, v17;
	v17 =	vadd.f32 v56, v29  }
0x7c: {  	(xrf2) =	vadd.scan.msk.f32 $0xffff, v24;
	v10 =	vadd.f32 v10, v11;
	v11 =	vadd.f32 v14, v12;
	v12 =	vld [tilespmem:s19+$0x86F0]  }
0x7d: {  	(xrf2) =	vadd.scan.msk.f32 $0xffff, v16;
	v16 =	vld [tilespmem:s19+$0x46E0];
	v13 =	vsub.f32 v13, v23;
	v14 =	vsub.f32 v17, v25  }
0x7e: {  	v6 =	vadd.f32 v7, v6;
	v21 =	vld [tilespmem:s19+$0x46F0];
	(xrf2) =	vadd.scan.msk.f32 $0xffff, v26;
	v17 =	vadd.f32 v22, v19  }
0x7f: {  	(xrf2) =	vadd.scan.msk.f32 $0xffff, v9;
	v11 =	vsub.f32 v11, v18;
	v9 =	vand.u32 $0x7FFFFFFF, v13;
	v13 =	vand.u32 $0x7FFFFFFF, v14;
	v14 =	vld [tilespmem:s19+$0x8750]  }
0x80: {  	(xrf2) =	vadd.scan.msk.f32 $0xffff, v15;
	v15 =	vld [tilespmem:s19+$0x4740];
	v9 =	vadd.f32 v13, v9;
	v13 =	vsub.f32 v17, v20  }
0x81: {  	v7 =	vld [tilespmem:s19+$0x4750];
	v3 =	vadd.f32 v4, v3;
	v8 =	vadd.f32 v12, v8  }
0x82: {  	v4 =	vld [tilespmem:s19+$0x47B0];
	v19 =	vadd.f32 v42, v41;
	v11 =	vand.u32 $0x7FFFFFFF, v11;
	v12 =	vand.u32 $0x7FFFFFFF, v13  }
0x83: {  	(xrf2) =	vadd.scan.msk.f32 $0xffff, v10;
	v8 =	vsub.f32 v8, v21;
	v11 =	vadd.f32 v12, v11;
	v12 =	vld [tilespmem:s19+$0x47A0]  }
0x84: {  	v10, _, _ =	vpop (xrf2);
	v13 =	vsub.f32 v19, v16;
	v16 =	vld [tilespmem:s19+$0x87B0];
	(xrf2) =	vadd.scan.msk.f32 $0xffff, v9;
	v5 =	vadd.f32 v14, v5  }
0x85: {  	v6 =	vsub.f32 v6, v15;
	v15 =	vld [tilespmem:s19+$0x7F0];
	v9, _, _ =	vpop (xrf2)  }
0x86: {  	v8 =	vand.u32 $0x7FFFFFFF, v8;
	v13 =	vand.u32 $0x7FFFFFFF, v13;
	v17, _, _ =	vpop (xrf2);
	v5 =	vsub.f32 v5, v7;
	v7 =	vld [tilespmem:s19+$0x87F0]  }
0x87: {  	v1 =	vld [tilespmem:s19+$0x87E0];
	(xrf2) =	vadd.scan.msk.f32 $0xffff, v11;
	v8 =	vadd.f32 v8, v13;
	v14, _, _ =	vpop (xrf2)  }
0x88: {  	v11, _, _ =	vpop (xrf2);
	v3 =	vsub.f32 v3, v12;
	v12 =	vld [tilespmem:s19+$0x47F0]  }
0x89: {  	v6 =	vand.u32 $0x7FFFFFFF, v6;
	v2 =	vadd.f32 v16, v2;
	v13, _, _ =	vpop (xrf2);
	v5 =	vand.u32 $0x7FFFFFFF, v5  }
0x8a: {  	v18, _, _ =	vpop (xrf2);
	v5 =	vadd.f32 v5, v6  }
0x8b: {  	(xrf2) =	vadd.scan.msk.f32 $0xffff, v8;
	v2 =	vsub.f32 v2, v4;
	v8, _, _ =	vpop (xrf2);
	v3 =	vand.u32 $0x7FFFFFFF, v3;
	v6 =	vadd.f32 v7, v15  }
0x8c: {  	v16 =	vld [tilespmem:s19+$0x47E0];
	v4, _, _ =	vpop (xrf2)  }
0x8d: {  	v0 =	vadd.f32 v1, v0;
	v2 =	vand.u32 $0x7FFFFFFF, v2;
	(xrf2) =	vadd.scan.msk.f32 $0xffff, v5;
	v1, _, _ =	vpop (xrf2);
	v5 =	vsub.f32 v6, v12  }
0x8e: {  	v2 =	vadd.f32 v2, v3;
	v3, _, _ =	vpop (xrf2)  }
0x8f: {  	v1 =	vbroadcast v1, $0xF;
	v3 =	vbroadcast v3, $0xF  }
0x90: {  	v4 =	vbroadcast v4, $0xF  }
0x91: {  	v0 =	vsub.f32 v0, v16;
	v1 =	vsel vm0, v1, v3;
	v3 =	vand.u32 $0x7FFFFFFF, v5;
	v5, _, _ =	vpop (xrf2)  }
0x92: {  	(xrf2) =	vadd.scan.msk.f32 $0xffff, v2;
	v1 =	vsel vm1, v1, v4;
	v4 =	vbroadcast v5, $0xF  }
0x93: {  	v0 =	vand.u32 $0x7FFFFFFF, v0;
	v2 =	vbroadcast v8, $0xF  }
0x94: {  	v0 =	vadd.f32 v3, v0  }
0x95: {  	v3 =	vbroadcast v13, $0xF;
	v1 =	vsel vm2, v1, v2;
	v2 =	vbroadcast v18, $0xF  }
0x96: {  	v1 =	vsel vm3, v1, v4;
	v4, _, _ =	vpop (xrf2)  }
0x97: {  	(xrf2) =	vadd.scan.msk.f32 $0xffff, v0;
	v0 =	vsel vm4, v1, v2;
	v1 =	vbroadcast v4, $0xF  }
0x98: {  	v2 =	vbroadcast v11, $0xF;
	v0 =	vsel vm5, v0, v3  }
0x99: {  	v3, _, _ =	vpop (xrf2);
	v0 =	vsel vm6, v0, v1;
	v1 =	vbroadcast v14, $0xF  }
0x9a: {  	v0 =	vsel vm7, v0, v2;
	v2 =	vbroadcast v3, $0xF  }
0x9b: {  	v0 =	vsel vm8, v0, v1;
	v1 =	vbroadcast v17, $0xF  }
0x9c: {  	v3, _, _ =	vpop (xrf2);
	v0 =	vsel vm9, v0, v2  }
0x9d: {  	v2 =	vbroadcast v9, $0xF;
	v0 =	vsel vm10, v0, v1;
	v1 =	vbroadcast v3, $0xF;
	_ =	sdelay $0x1  }
0x9e: {  	v0 =	vsel vm11, v0, v2;
	v2 =	vbroadcast v10, $0xF  }
0x9f: {  	v0 =	vsel vm12, v0, v1  }
0xa0: {  	v0 =	vsel vm13, v0, v2;
	v1, _, _ =	vpop (xrf2)  }
0xa1: {  	v0 =	vsel vm14, v0, v1  }
0xa2: {  	s19 =	simm.s32 $0x200;
	[tilespmem:s17+$0x0] =	vst v0  }
0xa3: {  	v0 =	vld [tilespmem:s19+$0x7E0]  }
0xa4: {  	v1 =	vld [tilespmem:s19+$0x87E0]  }
0xa5: {  	v9 =	vld [tilespmem:s19+$0x47C0]  }
0xa6: {  	v12 =	vld [tilespmem:s19+$0x47D0]  }
0xa7: {  	v13 =	vld [tilespmem:s19+$0x7C0]  }
0xa8: {  	v14 =	vld [tilespmem:s19+$0x87C0]  }
0xa9: {  	v15 =	vld [tilespmem:s19+$0x7D0]  }
0xaa: {  	v16 =	vld [tilespmem:s19+$0x87D0]  }
0xab: {  	v17 =	vld [tilespmem:s19+$0x4780]  }
0xac: {  	v19 =	vld [tilespmem:s19+$0x4790]  }
0xad: {  	v3 =	vld [tilespmem:s19+$0x7A0]  }
0xae: {  	v4 =	vld [tilespmem:s19+$0x87A0]  }
0xaf: {  	v2 =	vld [tilespmem:s19+$0x7B0]  }
0xb0: {  	v20 =	vld [tilespmem:s19+$0x4760]  }
0xb1: {  	v21 =	vld [tilespmem:s19+$0x4770]  }
0xb2: {  	v18 =	vld [tilespmem:s19+$0x780]  }
0xb3: {  	v22 =	vld [tilespmem:s19+$0x8780]  }
0xb4: {  	v23 =	vld [tilespmem:s19+$0x790]  }
0xb5: {  	v24 =	vld [tilespmem:s19+$0x8790]  }
0xb6: {  	v25 =	vld [tilespmem:s19+$0x760]  }
0xb7: {  	v26 =	vld [tilespmem:s19+$0x8760]  }
0xb8: {  	v27 =	vld [tilespmem:s19+$0x770]  }
0xb9: {  	v28 =	vld [tilespmem:s19+$0x8770]  }
0xba: {  	v29 =	vld [tilespmem:s19+$0x4720]  }
0xbb: {  	v30 =	vld [tilespmem:s19+$0x4730]  }
0xbc: {  	v6 =	vld [tilespmem:s19+$0x740]  }
0xbd: {  	v7 =	vld [tilespmem:s19+$0x8740]  }
0xbe: {  	v5 =	vld [tilespmem:s19+$0x750]  }
0xbf: {  	v31 =	vld [tilespmem:s19+$0x4700]  }
0xc0: {  	v32 =	vld [tilespmem:s19+$0x4710]  }
0xc1: {  	v33 =	vld [tilespmem:s19+$0x720]  }
0xc2: {  	v34 =	vld [tilespmem:s19+$0x8720]  }
0xc3: {  	v35 =	vld [tilespmem:s19+$0x730]  }
0xc4: {  	v36 =	vld [tilespmem:s19+$0x8730]  }
0xc5: {  	v37 =	vld [tilespmem:s19+$0x700]  }
0xc6: {  	v38 =	vld [tilespmem:s19+$0x8700]  }
0xc7: {  	v39 =	vld [tilespmem:s19+$0x710]  }
0xc8: {  	v40 =	vld [tilespmem:s19+$0x8710]  }
0xc9: {  	v41 =	vld [tilespmem:s19+$0x46C0]  }
0xca: {  	v42 =	vld [tilespmem:s19+$0x46D0]  }
0xcb: {  	v10 =	vld [tilespmem:s19+$0x6E0]  }
0xcc: {  	v11 =	vld [tilespmem:s19+$0x86E0]  }
0xcd: {  	v8 =	vld [tilespmem:s19+$0x6F0]  }
0xce: {  	v43 =	vld [tilespmem:s19+$0x46A0]  }
0xcf: {  	v44 =	vld [tilespmem:s19+$0x46B0]  }
0xd0: {  	v45 =	vld [tilespmem:s19+$0x6C0]  }
0xd1: {  	v57 =	vld [tilespmem:s19+$0x86C0]  }
0xd2: {  	v58 =	vld [tilespmem:s19+$0x6D0]  }
0xd3: {  	v59 =	vld [tilespmem:s19+$0x86D0]  }
0xd4: {  	v60 =	vld [tilespmem:s19+$0x6A0]  }
0xd5: {  	v61 =	vld [tilespmem:s19+$0x86A0]  }
0xd6: {  	v62 =	vld [tilespmem:s19+$0x6B0];
	v13 =	vadd.f32 v14, v13  }
0xd7: {  	v63 =	vld [tilespmem:s19+$0x86B0];
	v14 =	vadd.f32 v16, v15;
	v18 =	vadd.f32 v22, v18  }
0xd8: {  	v56 =	vld [tilespmem:s19+$0x4660];
	v22 =	vadd.f32 v24, v23;
	v23 =	vadd.f32 v26, v25  }
0xd9: {  	v15 =	vld [tilespmem:s19+$0x680];
	v9 =	vsub.f32 v13, v9;
	v12 =	vsub.f32 v14, v12  }
0xda: {  	v16 =	vld [tilespmem:s19+$0x8680];
	v19 =	vsub.f32 v22, v19;
	v22 =	vadd.f32 v28, v27  }
0xdb: {  	v25 =	vld [tilespmem:s19+$0x8660];
	v20 =	vsub.f32 v23, v20;
	v9 =	vand.u32 $0x7FFFFFFF, v9;
	v12 =	vand.u32 $0x7FFFFFFF, v12  }
0xdc: {  	v26 =	vld [tilespmem:s19+$0x670];
	v9 =	vadd.f32 v12, v9;
	v12 =	vsub.f32 v18, v17  }
0xdd: {  	v23 =	vld [tilespmem:s19+$0x660];
	v21 =	vsub.f32 v22, v21;
	v22 =	vadd.f32 v36, v35  }
0xde: {  	v24 =	vadd.f32 v34, v33;
	v13 =	vld [tilespmem:s19+$0x4670];
	v19 =	vand.u32 $0x7FFFFFFF, v19;
	v12 =	vand.u32 $0x7FFFFFFF, v12  }
0xdf: {  	v14 =	vld [tilespmem:s19+$0x690];
	v21 =	vand.u32 $0x7FFFFFFF, v21;
	v22 =	vsub.f32 v22, v30;
	v12 =	vadd.f32 v19, v12  }
0xe0: {  	v27 =	vld [tilespmem:s19+$0x8670];
	(xrf2) =	vadd.scan.msk.f32 $0xffff, v9;
	v19 =	vand.u32 $0x7FFFFFFF, v20;
	v20 =	vsub.f32 v24, v29;
	v24 =	vadd.f32 v38, v37  }
0xe1: {  	v18 =	vld [tilespmem:s19+$0x4640];
	v9 =	vadd.f32 v21, v19;
	v21 =	vadd.f32 v40, v39  }
0xe2: {  	v17 =	vld [tilespmem:s19+$0x4650];
	v23 =	vadd.f32 v25, v23;
	v22 =	vand.u32 $0x7FFFFFFF, v22;
	v29 =	vadd.f32 v61, v60;
	(xrf2) =	vadd.scan.msk.f32 $0xffff, v12  }
0xe3: {  	v30 =	vld [tilespmem:s19+$0x640];
	v28 =	vand.u32 $0x7FFFFFFF, v20;
	v24 =	vsub.f32 v24, v31;
	(xrf2) =	vadd.scan.msk.f32 $0xffff, v9;
	v9 =	vsub.f32 v21, v32  }
0xe4: {  	v25 =	vld [tilespmem:s19+$0x610];
	v12 =	vadd.f32 v57, v45;
	v21 =	vadd.f32 v22, v28  }
0xe5: {  	v19 =	vld [tilespmem:s19+$0x4600];
	v22 =	vadd.f32 v59, v58;
	v24 =	vand.u32 $0x7FFFFFFF, v24;
	v9 =	vand.u32 $0x7FFFFFFF, v9  }
0xe6: {  	v20 =	vld [tilespmem:s19+$0x4610];
	v60 =	vadd.f32 v9, v24;
	v9 =	vsub.f32 v29, v43  }
0xe7: {  	v26 =	vadd.f32 v27, v26;
	v31 =	vld [tilespmem:s19+$0x650];
	(xrf2) =	vadd.scan.msk.f32 $0xffff, v21  }
0xe8: {  	v28 =	vld [tilespmem:s19+$0x8640];
	v12 =	vsub.f32 v12, v41;
	v59 =	vsub.f32 v22, v42  }
0xe9: {  	v13 =	vsub.f32 v26, v13;
	v57 =	vadd.f32 v63, v62;
	v58 =	vld [tilespmem:s19+$0x8650]  }
0xea: {  	v22 =	vld [tilespmem:s19+$0x8600];
	v12 =	vand.u32 $0x7FFFFFFF, v12;
	v27 =	vand.u32 $0x7FFFFFFF, v59;
	v61 =	vand.u32 $0x7FFFFFFF, v9;
	v9, _, _ =	vpop (xrf2);
	(xrf2) =	vadd.scan.msk.f32 $0xffff, v60  }
0xeb: {  	v32 =	vsub.f32 v57, v44;
	v24 =	vld [tilespmem:s19+$0x600];
	v27 =	vadd.f32 v27, v12  }
0xec: {  	v62 =	vsub.f32 v23, v56;
	v29 =	vld [tilespmem:s19+$0x8610]  }
0xed: {  	v63 =	vand.u32 $0x7FFFFFFF, v13;
	v21 =	vld [tilespmem:s19+$0x620];
	v23 =	vand.u32 $0x7FFFFFFF, v32;
	v12, _, _ =	vpop (xrf2);
	(xrf2) =	vadd.scan.msk.f32 $0xffff, v27  }
0xee: {  	v30 =	vadd.f32 v28, v30;
	v28 =	vand.u32 $0x7FFFFFFF, v62;
	v26 =	vadd.f32 v23, v61;
	v23 =	vld [tilespmem:s19+$0x8620]  }
0xef: {  	s21 =	simm.s32 $0x1000;
	s20 =	simm.s32 $0xC600;
	v31 =	vadd.f32 v58, v31;
	v28 =	vadd.f32 v63, v28;
	v27 =	vld [tilespmem:s19+$0x630];
	v13, _, _ =	vpop (xrf2)  }
.LBB2_2:
0xf0: {  	p0 =	sne.s32 s21, $0xF800;
	v22 =	vadd.f32 v22, v24;
	v24 =	vld [tilespmem:s19+$0x8630];
	v18 =	vsub.f32 v30, v18;
	(xrf2) =	vadd.scan.msk.f32 $0xffff, v26  }
0xf1: {  	v25 =	vadd.f32 v29, v25;
	v26 =	vld [tilespmem:s19+$0x4620];
	v29 =	vsub.f32 v31, v17;
	v17, _, _ =	vpop (xrf2)  }
0xf2: {  	v19 =	vsub.f32 v22, v19;
	v22 =	vld [tilespmem:s19+$0x4630]  }
0xf3: {  	v18 =	vand.u32 $0x7FFFFFFF, v18;
	v20 =	vsub.f32 v25, v20;
	v25 =	vand.u32 $0x7FFFFFFF, v29;
	v29 =	vld [tilespmem:s19+$0x8690];
	(xrf2) =	vadd.scan.msk.f32 $0xffff, v28  }
0xf4: {  	v19 =	vand.u32 $0x7FFFFFFF, v19;
	v18 =	vadd.f32 v25, v18;
	v25 =	vld [tilespmem:s19+$0x4680];
	v28, _, _ =	vpop (xrf2)  }
0xf5: {  	v21 =	vadd.f32 v23, v21;
	v20 =	vand.u32 $0x7FFFFFFF, v20;
	v23 =	vadd.f32 v24, v27;
	v24 =	vld [tilespmem:s19+$0x4690]  }
0xf6: {  	v15 =	vadd.f32 v16, v15;
	v19 =	vadd.f32 v20, v19;
	v16 =	vld [tilespmem:s19+$0x86F0];
	(xrf2) =	vadd.scan.msk.f32 $0xffff, v18  }
0xf7: {  	v18 =	vsub.f32 v21, v26;
	v27 =	vsub.f32 v23, v22;
	v21 =	vld [tilespmem:s19+$0x46E0];
	v22, _, _ =	vpop (xrf2)  }
0xf8: {  	v10 =	vadd.f32 v11, v10;
	v14 =	vadd.f32 v29, v14;
	v11 =	vld [tilespmem:s19+$0x46F0]  }
0xf9: {  	v18 =	vand.u32 $0x7FFFFFFF, v18;
	v26 =	vand.u32 $0x7FFFFFFF, v27;
	v15 =	vsub.f32 v15, v25;
	v23 =	vld [tilespmem:s19+$0x8750];
	(xrf2) =	vadd.scan.msk.f32 $0xffff, v19  }
0xfa: {  	v18 =	vadd.f32 v26, v18;
	v14 =	vsub.f32 v14, v24;
	v19 =	vld [tilespmem:s19+$0x4740];
	v20, _, _ =	vpop (xrf2)  }
0xfb: {  	v6 =	vadd.f32 v7, v6;
	v8 =	vadd.f32 v16, v8;
	v7 =	vld [tilespmem:s19+$0x4750]  }
0xfc: {  	v24 =	vand.u32 $0x7FFFFFFF, v15;
	v14 =	vand.u32 $0x7FFFFFFF, v14;
	v10 =	vsub.f32 v10, v21;
	v16 =	vld [tilespmem:s19+$0x87B0];
	(xrf2) =	vadd.scan.msk.f32 $0xffff, v18  }
0xfd: {  	v14 =	vadd.f32 v14, v24;
	v8 =	vsub.f32 v8, v11;
	v11 =	vld [tilespmem:s19+$0x47A0];
	v15, _, _ =	vpop (xrf2)  }
0xfe: {  	v3 =	vadd.f32 v4, v3;
	v5 =	vadd.f32 v23, v5;
	v4 =	vld [tilespmem:s19+$0x47B0]  }
0xff: {  	v21 =	vand.u32 $0x7FFFFFFF, v10;
	v8 =	vand.u32 $0x7FFFFFFF, v8;
	v6 =	vsub.f32 v6, v19;
	v18 =	vld [tilespmem:s19+$0x7F0];
	(xrf2) =	vadd.scan.msk.f32 $0xffff, v14  }
0x100: {  	v8 =	vadd.f32 v8, v21;
	v5 =	vsub.f32 v5, v7;
	v7 =	vld [tilespmem:s19+$0x87F0];
	v10, _, _ =	vpop (xrf2)  }
0x101: {  	v2 =	vadd.f32 v16, v2;
	v14 =	vld [tilespmem:s19+$0x47E0]  }
0x102: {  	v6 =	vand.u32 $0x7FFFFFFF, v6;
	v5 =	vand.u32 $0x7FFFFFFF, v5;
	v3 =	vsub.f32 v3, v11;
	v11 =	vld [tilespmem:s19+$0x47F0];
	(xrf2) =	vadd.scan.msk.f32 $0xffff, v8  }
0x103: {  	v5 =	vadd.f32 v5, v6;
	v8 =	vsub.f32 v2, v4;
	v4, _, _ =	vpop (xrf2)  }
0x104: {  	v0 =	vadd.f32 v1, v0  }
0x105: {  	v1 =	vand.u32 $0x7FFFFFFF, v3;
	v6 =	vand.u32 $0x7FFFFFFF, v8;
	v3 =	vadd.f32 v7, v18;
	(xrf2) =	vadd.scan.msk.f32 $0xffff, v5  }
0x106: {  	v1 =	vadd.f32 v6, v1;
	v0 =	vsub.f32 v0, v14;
	v2, _, _ =	vpop (xrf2)  }
0x107: {  	v6 =	vbroadcast v4, $0xF;
	v2 =	vbroadcast v2, $0xF;
	v3 =	vsub.f32 v3, v11  }
0x108: {  	v5 =	vbroadcast v10, $0xF;
	v0 =	vand.u32 $0x7FFFFFFF, v0;
	(xrf2) =	vadd.scan.msk.f32 $0xffff, v1  }
0x109: {  	v1 =	vsel vm0, v6, v2;
	v2 =	vbroadcast v15, $0xF;
	v3 =	vand.u32 $0x7FFFFFFF, v3;
	v4, _, _ =	vpop (xrf2)  }
0x10a: {  	v1 =	vsel vm1, v1, v5;
	v5 =	vbroadcast v4, $0xF;
	v0 =	vadd.f32 v3, v0  }
0x10b: {  	v1 =	vsel vm2, v1, v2;
	v2 =	vbroadcast v20, $0xF  }
0x10c: {  	v1 =	vsel vm3, v1, v5;
	v5 =	vbroadcast v22, $0xF;
	v4, _, _ =	vpop (xrf2);
	(xrf2) =	vadd.scan.msk.f32 $0xffff, v0  }
0x10d: {  	v0 =	vsel vm4, v1, v2;
	v1 =	vbroadcast v4, $0xF  }
0x10e: {  	v2 =	vbroadcast v28, $0xF;
	v0 =	vsel vm5, v0, v5  }
0x10f: {  	v0 =	vsel vm6, v0, v1;
	v1 =	vbroadcast v17, $0xF;
	v3, _, _ =	vpop (xrf2)  }
0x110: {  	v0 =	vsel vm7, v0, v2;
	v2 =	vbroadcast v3, $0xF  }
0x111: {  	v0 =	vsel vm8, v0, v1;
	v1 =	vbroadcast v13, $0xF  }
0x112: {  	v0 =	vsel vm9, v0, v2;
	v2 =	vbroadcast v12, $0xF;
	v3, _, _ =	vpop (xrf2)  }
0x113: {  	v0 =	vsel vm10, v0, v1;
	v3 =	vbroadcast v3, $0xF  }
0x114: {  	v0 =	vsel vm11, v0, v2;
	v2 =	vbroadcast v9, $0xF  }
0x115: {  	v0 =	vsel vm12, v0, v3  }
0x116: {  	v0 =	vsel vm13, v0, v2;
	v1, _, _ =	vpop (xrf2)  }
0x117: {  	s20 =	sadd.s32 $0x10, s20;
	v0 =	vsel vm14, v0, v1  }
0x118: {  	s19 =	sshra.s32 s21, $0x2;
	[tilespmem:s20+$0x0] =	vst v0  }
0x119: {  	v0 =	vld [tilespmem:s19+$0x7E0]  }
0x11a: {  	v1 =	vld [tilespmem:s19+$0x87E0]  }
0x11b: {  	v9 =	vld [tilespmem:s19+$0x47C0]  }
0x11c: {  	v12 =	vld [tilespmem:s19+$0x47D0]  }
0x11d: {  	v13 =	vld [tilespmem:s19+$0x7C0]  }
0x11e: {  	v14 =	vld [tilespmem:s19+$0x87C0]  }
0x11f: {  	v15 =	vld [tilespmem:s19+$0x7D0]  }
0x120: {  	v16 =	vld [tilespmem:s19+$0x87D0]  }
0x121: {  	v17 =	vld [tilespmem:s19+$0x4780]  }
0x122: {  	v18 =	vld [tilespmem:s19+$0x4790]  }
0x123: {  	v3 =	vld [tilespmem:s19+$0x7A0]  }
0x124: {  	v4 =	vld [tilespmem:s19+$0x87A0]  }
0x125: {  	v2 =	vld [tilespmem:s19+$0x7B0]  }
0x126: {  	v19 =	vld [tilespmem:s19+$0x4760]  }
0x127: {  	v20 =	vld [tilespmem:s19+$0x4770]  }
0x128: {  	v21 =	vld [tilespmem:s19+$0x780]  }
0x129: {  	v22 =	vld [tilespmem:s19+$0x8780]  }
0x12a: {  	v23 =	vld [tilespmem:s19+$0x790]  }
0x12b: {  	v24 =	vld [tilespmem:s19+$0x8790]  }
0x12c: {  	v25 =	vld [tilespmem:s19+$0x760]  }
0x12d: {  	v26 =	vld [tilespmem:s19+$0x8760]  }
0x12e: {  	v27 =	vld [tilespmem:s19+$0x770]  }
0x12f: {  	v28 =	vld [tilespmem:s19+$0x8770]  }
0x130: {  	v29 =	vld [tilespmem:s19+$0x4720]  }
0x131: {  	v30 =	vld [tilespmem:s19+$0x4730]  }
0x132: {  	v6 =	vld [tilespmem:s19+$0x740]  }
0x133: {  	v7 =	vld [tilespmem:s19+$0x8740]  }
0x134: {  	v5 =	vld [tilespmem:s19+$0x750]  }
0x135: {  	v31 =	vld [tilespmem:s19+$0x4700]  }
0x136: {  	v32 =	vld [tilespmem:s19+$0x4710]  }
0x137: {  	v33 =	vld [tilespmem:s19+$0x720]  }
0x138: {  	v34 =	vld [tilespmem:s19+$0x8720]  }
0x139: {  	v35 =	vld [tilespmem:s19+$0x730]  }
0x13a: {  	v36 =	vld [tilespmem:s19+$0x8730]  }
0x13b: {  	v37 =	vld [tilespmem:s19+$0x700]  }
0x13c: {  	v38 =	vld [tilespmem:s19+$0x8700]  }
0x13d: {  	v39 =	vld [tilespmem:s19+$0x710]  }
0x13e: {  	v40 =	vld [tilespmem:s19+$0x8710]  }
0x13f: {  	v41 =	vld [tilespmem:s19+$0x46C0]  }
0x140: {  	v42 =	vld [tilespmem:s19+$0x46D0]  }
0x141: {  	v10 =	vld [tilespmem:s19+$0x6E0]  }
0x142: {  	v11 =	vld [tilespmem:s19+$0x86E0]  }
0x143: {  	v8 =	vld [tilespmem:s19+$0x6F0]  }
0x144: {  	v43 =	vld [tilespmem:s19+$0x46A0]  }
0x145: {  	v44 =	vld [tilespmem:s19+$0x46B0]  }
0x146: {  	v45 =	vld [tilespmem:s19+$0x6C0]  }
0x147: {  	v46 =	vld [tilespmem:s19+$0x86C0]  }
0x148: {  	v47 =	vld [tilespmem:s19+$0x6D0]  }
0x149: {  	v48 =	vld [tilespmem:s19+$0x86D0]  }
0x14a: {  	v13 =	vadd.f32 v14, v13;
	v49 =	vld [tilespmem:s19+$0x6A0]  }
0x14b: {  	v14 =	vadd.f32 v16, v15;
	v50 =	vld [tilespmem:s19+$0x86A0]  }
0x14c: {  	v9 =	vsub.f32 v13, v9;
	v51 =	vld [tilespmem:s19+$0x6B0]  }
0x14d: {  	v12 =	vsub.f32 v14, v12;
	v13 =	vld [tilespmem:s19+$0x86B0]  }
0x14e: {  	v9 =	vand.u32 $0x7FFFFFFF, v9;
	v52 =	vld [tilespmem:s19+$0x4660]  }
0x14f: {  	v12 =	vand.u32 $0x7FFFFFFF, v12;
	v14 =	vadd.f32 v22, v21;
	v21 =	vadd.f32 v24, v23;
	v53 =	vld [tilespmem:s19+$0x4670]  }
0x150: {  	v9 =	vadd.f32 v12, v9;
	v15 =	vld [tilespmem:s19+$0x680]  }
0x151: {  	v12 =	vsub.f32 v14, v17;
	v21 =	vsub.f32 v21, v18;
	v16 =	vld [tilespmem:s19+$0x8680]  }
0x152: {  	v22 =	vadd.f32 v26, v25;
	v23 =	vadd.f32 v28, v27;
	v14 =	vld [tilespmem:s19+$0x690]  }
0x153: {  	v12 =	vand.u32 $0x7FFFFFFF, v12;
	v18 =	vld [tilespmem:s19+$0x4640]  }
0x154: {  	v19 =	vsub.f32 v22, v19;
	v21 =	vand.u32 $0x7FFFFFFF, v21;
	v20 =	vsub.f32 v23, v20;
	v17 =	vld [tilespmem:s19+$0x4650];
	(xrf2) =	vadd.scan.msk.f32 $0xffff, v9  }
0x155: {  	v12 =	vadd.f32 v21, v12;
	v9 =	vadd.f32 v34, v33;
	v23 =	vld [tilespmem:s19+$0x660]  }
0x156: {  	v19 =	vand.u32 $0x7FFFFFFF, v19;
	v20 =	vand.u32 $0x7FFFFFFF, v20;
	v22 =	vadd.f32 v36, v35;
	v21 =	vld [tilespmem:s19+$0x8660]  }
0x157: {  	v24 =	vadd.f32 v20, v19;
	v9 =	vsub.f32 v9, v29;
	v25 =	vld [tilespmem:s19+$0x670];
	(xrf2) =	vadd.scan.msk.f32 $0xffff, v12  }
0x158: {  	v26 =	vadd.f32 v38, v37;
	v22 =	vsub.f32 v22, v30;
	v12 =	vld [tilespmem:s19+$0x8670]  }
0x159: {  	v27 =	vadd.f32 v40, v39;
	v9 =	vand.u32 $0x7FFFFFFF, v9;
	v19 =	vld [tilespmem:s19+$0x4600]  }
0x15a: {  	v26 =	vsub.f32 v26, v31;
	v22 =	vand.u32 $0x7FFFFFFF, v22;
	v28 =	vadd.f32 v46, v45;
	v20 =	vld [tilespmem:s19+$0x4610];
	(xrf2) =	vadd.scan.msk.f32 $0xffff, v24  }
0x15b: {  	v34 =	vadd.f32 v22, v9;
	v24 =	vsub.f32 v27, v32;
	v30 =	vld [tilespmem:s19+$0x640]  }
0x15c: {  	v26 =	vand.u32 $0x7FFFFFFF, v26;
	v28 =	vsub.f32 v28, v41;
	v22 =	vadd.f32 v48, v47;
	v27 =	vld [tilespmem:s19+$0x8640]  }
0x15d: {  	v13 =	vadd.f32 v13, v51;
	v29 =	vadd.f32 v50, v49;
	v24 =	vand.u32 $0x7FFFFFFF, v24;
	v31 =	vld [tilespmem:s19+$0x650];
	(xrf2) =	vadd.scan.msk.f32 $0xffff, v34  }
0x15e: {  	v33 =	vsub.f32 v22, v42;
	v26 =	vadd.f32 v24, v26;
	v32 =	vld [tilespmem:s19+$0x8650];
	v9, _, _ =	vpop (xrf2)  }
0x15f: {  	v28 =	vand.u32 $0x7FFFFFFF, v28;
	v13 =	vsub.f32 v13, v44;
	v29 =	vsub.f32 v29, v43;
	v22 =	vld [tilespmem:s19+$0x8600]  }
0x160: {  	v21 =	vadd.f32 v21, v23;
	v23 =	vadd.f32 v12, v25;
	v33 =	vand.u32 $0x7FFFFFFF, v33;
	v24 =	vld [tilespmem:s19+$0x600];
	(xrf2) =	vadd.scan.msk.f32 $0xffff, v26  }
.Ltmp0:
0x161: {  	v28 =	vadd.f32 v33, v28;
	v26 =	vand.u32 $0x7FFFFFFF, v29;
	v25 =	vld [tilespmem:s19+$0x610];
	v12, _, _ =	vpop (xrf2);
	(pc) =	sbr.rel @p0 .LBB2_2-.Ltmp0, $4  }
0x162: {  	v35 =	vand.u32 $0x7FFFFFFF, v13;
	v33 =	vsub.f32 v21, v52;
	v34 =	vsub.f32 v23, v53;
	v29 =	vld [tilespmem:s19+$0x8610]  }
0x163: {  	v26 =	vadd.f32 v35, v26;
	v21 =	vld [tilespmem:s19+$0x620];
	(xrf2) =	vadd.scan.msk.f32 $0xffff, v28  }
0x164: {  	v30 =	vadd.f32 v27, v30;
	v28 =	vand.u32 $0x7FFFFFFF, v33;
	v33 =	vand.u32 $0x7FFFFFFF, v34;
	v23 =	vld [tilespmem:s19+$0x8620];
	v13, _, _ =	vpop (xrf2)  }
0x165: {  	s21 =	sadd.s32 $0x800, s21;
	v31 =	vadd.f32 v32, v31;
	v28 =	vadd.f32 v33, v28;
	v27 =	vld [tilespmem:s19+$0x630]  }
0x166: {  	v51 =	vld [tilespmem:s19+$0x8630]  }
0x167: {  	v52 =	vld [tilespmem:s19+$0x4620]  }
0x168: {  	v22 =	vadd.f32 v22, v24;
	v53 =	vld [tilespmem:s19+$0x4630]  }
0x169: {  	v18 =	vsub.f32 v30, v18;
	v54 =	vld [tilespmem:s19+$0x8690];
	v15 =	vadd.f32 v16, v15  }
0x16a: {  	v55 =	vld [tilespmem:s19+$0x4680];
	v10 =	vadd.f32 v11, v10;
	v17 =	vsub.f32 v31, v17  }
0x16b: {  	v25 =	vadd.f32 v29, v25;
	v19 =	vsub.f32 v22, v19;
	v18 =	vand.u32 $0x7FFFFFFF, v18  }
0x16c: {  	v57 =	vld [tilespmem:s19+$0x4690];
	v17 =	vand.u32 $0x7FFFFFFF, v17;
	v21 =	vadd.f32 v23, v21;
	v56 =	vadd.f32 v51, v27  }
0x16d: {  	v58 =	vld [tilespmem:s19+$0x86F0];
	v20 =	vsub.f32 v25, v20;
	v17 =	vadd.f32 v17, v18  }
0x16e: {  	v61 =	vld [tilespmem:s19+$0x46E0];
	v19 =	vand.u32 $0x7FFFFFFF, v19;
	v59 =	vsub.f32 v21, v52;
	v60 =	vsub.f32 v56, v53  }
0x16f: {  	(xrf2) =	vadd.scan.msk.f32 $0xffff, v26;
	v62 =	vld [tilespmem:s19+$0x46F0];
	v20 =	vand.u32 $0x7FFFFFFF, v20;
	v14 =	vadd.f32 v54, v14;
	v15 =	vsub.f32 v15, v55  }
0x170: {  	v63 =	vld [tilespmem:s19+$0x8750];
	(xrf2) =	vadd.scan.msk.f32 $0xffff, v28;
	v19 =	vadd.f32 v20, v19;
	v20 =	vand.u32 $0x7FFFFFFF, v59;
	v21 =	vand.u32 $0x7FFFFFFF, v60  }
0x171: {  	v26 =	vld [tilespmem:s19+$0x4740];
	(xrf2) =	vadd.scan.msk.f32 $0xffff, v17;
	v14 =	vsub.f32 v14, v57;
	v25 =	vadd.f32 v21, v20  }
0x172: {  	v6 =	vadd.f32 v7, v6;
	v8 =	vadd.f32 v58, v8;
	v27 =	vld [tilespmem:s19+$0x4750];
	(xrf2) =	vadd.scan.msk.f32 $0xffff, v19  }
0x173: {  	v28 =	vld [tilespmem:s19+$0x87B0];
	v10 =	vsub.f32 v10, v61;
	v15 =	vand.u32 $0x7FFFFFFF, v15;
	v14 =	vand.u32 $0x7FFFFFFF, v14;
	(xrf2) =	vadd.scan.msk.f32 $0xffff, v25  }
0x174: {  	v29 =	vld [tilespmem:s19+$0x47A0];
	v8 =	vsub.f32 v8, v62;
	v14 =	vadd.f32 v14, v15  }
0x175: {  	v3 =	vadd.f32 v4, v3;
	v30 =	vld [tilespmem:s19+$0x47B0];
	v5 =	vadd.f32 v63, v5  }
0x176: {  	v32 =	vld [tilespmem:s19+$0x7F0];
	v31, _, _ =	vpop (xrf2);
	v6 =	vsub.f32 v6, v26;
	v10 =	vand.u32 $0x7FFFFFFF, v10;
	v8 =	vand.u32 $0x7FFFFFFF, v8;
	(xrf2) =	vadd.scan.msk.f32 $0xffff, v14  }
0x177: {  	v34 =	vld [tilespmem:s19+$0x87F0];
	v33, _, _ =	vpop (xrf2);
	v8 =	vadd.f32 v8, v10;
	v5 =	vsub.f32 v5, v27  }
0x178: {  	v36 =	vld [tilespmem:s19+$0x47E0];
	v2 =	vadd.f32 v28, v2;
	v35, _, _ =	vpop (xrf2)  }
0x179: {  	v38 =	vld [tilespmem:s19+$0x47F0];
	v3 =	vsub.f32 v3, v29;
	v6 =	vand.u32 $0x7FFFFFFF, v6;
	v37, _, _ =	vpop (xrf2);
	v5 =	vand.u32 $0x7FFFFFFF, v5;
	(xrf2) =	vadd.scan.msk.f32 $0xffff, v8  }
0x17a: {  	v2 =	vsub.f32 v2, v30;
	v39, _, _ =	vpop (xrf2);
	v5 =	vadd.f32 v5, v6  }
0x17b: {  	v0 =	vadd.f32 v1, v0;
	v40, _, _ =	vpop (xrf2)  }
0x17c: {  	v42 =	vadd.f32 v34, v32;
	v3 =	vand.u32 $0x7FFFFFFF, v3;
	v2 =	vand.u32 $0x7FFFFFFF, v2;
	(xrf2) =	vadd.scan.msk.f32 $0xffff, v5;
	v41, _, _ =	vpop (xrf2)  }
0x17d: {  	v0 =	vsub.f32 v0, v36;
	v2 =	vadd.f32 v2, v3;
	v43, _, _ =	vpop (xrf2)  }
0x17e: {  	v44 =	vsub.f32 v42, v38;
	v1 =	vbroadcast v41, $0xF;
	v3 =	vbroadcast v43, $0xF  }
0x17f: {  	v0 =	vand.u32 $0x7FFFFFFF, v0;
	(xrf2) =	vadd.scan.msk.f32 $0xffff, v2;
	v4 =	vbroadcast v40, $0xF  }
0x180: {  	v46 =	vand.u32 $0x7FFFFFFF, v44;
	v45 =	vbroadcast v39, $0xF;
	v47, _, _ =	vpop (xrf2);
	v1 =	vsel vm0, v1, v3  }
0x181: {  	v0 =	vadd.f32 v46, v0;
	v48 =	vbroadcast v47, $0xF;
	v1 =	vsel vm1, v1, v4  }
0x182: {  	v49 =	vbroadcast v37, $0xF;
	v1 =	vsel vm2, v1, v45  }
0x183: {  	v50 =	vbroadcast v35, $0xF;
	(xrf2) =	vadd.scan.msk.f32 $0xffff, v0;
	v51, _, _ =	vpop (xrf2);
	v1 =	vsel vm3, v1, v48  }
0x184: {  	v53 =	vbroadcast v51, $0xF;
	v52 =	vsel vm4, v1, v49  }
0x185: {  	v54 =	vbroadcast v33, $0xF;
	v0 =	vsel vm5, v52, v50  }
0x186: {  	v55 =	vbroadcast v31, $0xF;
	v56, _, _ =	vpop (xrf2);
	v0 =	vsel vm6, v0, v53  }
0x187: {  	v57 =	vbroadcast v56, $0xF;
	v0 =	vsel vm7, v0, v54  }
0x188: {  	v58 =	vbroadcast v13, $0xF;
	v0 =	vsel vm8, v0, v55  }
0x189: {  	v59 =	vbroadcast v12, $0xF;
	v60, _, _ =	vpop (xrf2);
	v0 =	vsel vm9, v0, v57  }
0x18a: {  	v61 =	vbroadcast v60, $0xF;
	v0 =	vsel vm10, v0, v58  }
0x18b: {  	v62 =	vbroadcast v9, $0xF;
	v0 =	vsel vm11, v0, v59  }
0x18c: {  	v0 =	vsel vm12, v0, v61  }
0x18d: {  	s18 =	sadd.s32 $0x1, s18;
	v63, _, _ =	vpop (xrf2);
	v0 =	vsel vm13, v0, v62  }
0x18e: {  	s31 =	sadd.s32 $0x10, s20;
	p0 =	sne.s32 s18, s9;
	v0 =	vsel vm14, v0, v63  }
.Ltmp1:
0x18f: {  	[tilespmem:s31+$0x0] =	vst v0;
	(pc) =	sbr.rel @p0 .LBB2_1-.Ltmp1, $4  }
0x190: {  	[hbm4b:s8+s1] =	stream.linear.scatter [tilespmem:s17], [sflag:$0x2], $0x200, $0x38;
	[tilespmem:$0xC800] =	vst v63  }
0x191: {  	_ =	swait.ge [sflag:s10], $0x200  }
0x192: {  	[sflag:s10] =	ssyncset.done $0x0  }
0x193: {  	[sflag:s10] =	ssyncadd.s32 $0xFFFFFE00  }
0x194: {  	_ =	sfence.sel $0x180000  }
0x195: {  	[bflag:$0x0] =	sbarrier.arrive $0xFFFF  }
0x196: {  	p0 =	sne.s32 s2, $0x0;
	_ =	strace $0x90000047  }
0x197: {  	s0 =	sadd.s32 @!p0 $0x100000, s0;
	[bflag:$0x2] =	sbarrier.arrive $0xFFFF  }
0x198: {  	[sflag:s0] =	ssyncadd.tile.s32 @!p0 $0x1;
	_ =	shalt  }
.Lfunc_end2:
_tile_overlayer_lowered:
.L_overlay_start_2:
0x199: {  	(tag) =	ssettag $0x2  }
0x19a: {  	s0 =	rddreg [dreg:$0x0];
	s2 =	stileid.u32  }
0x19b: {  	s1 =	rddreg [dreg:$0x1];
	p0 =	sne.s32 s2, $0x0  }
0x19c: {  	s3 =	rddreg [dreg:$0x2];
	[bflag:$0x3] =	sbarrier.arrive $0xFFFF;
	s2 =	simm.s32 @!p0 $0x1C02  }
0x19d: {  	[timem:s3], [sflag:s2] =	dma.local @!p0 [hbm:s0], s1  }
0x19e: {  	s0 =	simm.s32 @!p0 $0x2  }
0x19f: {  	_ =	swait.ge @!p0 [sflag:s0], s1  }
0x1a0: {  	s1 =	ssub.s32 @!p0 $0x0, s1;
	[sflag:s0] =	ssyncset.done @!p0 $0x0  }
0x1a1: {  	[sflag:s0] =	ssyncadd.s32 @!p0 s1  }
0x1a2: {  	[bflag:$0x3] =	sbarrier.arrive $0xFFFF  }
0x1a3: {  	_ =	shalt  }

</sc_bundles>
